<compile_context>
chip_gen: v7x
topology: tpu7x:2x2x1
jax: 0.10.2.dev20260603
libtpu: 0.0.44.dev20260713+nightly
codegen_flags: <defaults>
</compile_context>

<pallas_src>
import functools

import jax
import jax.numpy as jnp
from jax import lax
from jax.experimental import pallas as pl
from jax.experimental.pallas import tpu as pltpu
from jax.experimental.pallas import tpu_sc as plsc

_W = 128
_NBUF = 5
_NW = 32


@functools.partial(jax.jit, static_argnums=(2, 3))
def _sc_gather(table, idx_rows, num_indices, d_model):
    nwin = num_indices // _W // _NW
    mesh = plsc.VectorSubcoreMesh(core_axis_name="core", subcore_axis_name="subcore")

    @functools.partial(
        pl.kernel,
        out_type=jax.ShapeDtypeStruct((num_indices, d_model), table.dtype),
        mesh=mesh,
        scratch_types=[
            pltpu.VMEM((_NBUF, _W), jnp.int32),
            pltpu.VMEM((_NBUF, _W, d_model), table.dtype),
            pltpu.SemaphoreType.DMA((_NBUF,)),
            pltpu.SemaphoreType.DMA((_NBUF,)),
        ],
    )
    def gather_kernel(table_hbm, idx_hbm, out_hbm, idx_v, rows_v, gsem, ssem):
        wid = lax.axis_index("subcore") * 2 + lax.axis_index("core")
        base = wid * nwin

        def fire_gather(b, w):
            pltpu.sync_copy(idx_hbm.at[base + w], idx_v.at[b])
            pltpu.make_async_copy(
                table_hbm.at[idx_v.at[b]], rows_v.at[b], gsem.at[b]
            ).start()

        def wait_gather(b):
            pltpu.make_async_copy(
                table_hbm.at[idx_v.at[b]], rows_v.at[b], gsem.at[b]
            ).wait()

        def fire_store(b, w):
            pltpu.make_async_copy(
                rows_v.at[b], out_hbm.at[pl.ds((base + w) * _W, _W)], ssem.at[b]
            ).start()

        def wait_store(b, w):
            pltpu.make_async_copy(
                rows_v.at[b], out_hbm.at[pl.ds((base + w) * _W, _W)], ssem.at[b]
            ).wait()

        for b in range(_NBUF):
            fire_gather(b, b)

        @pl.loop(0, nwin, step=_NBUF)
        def _(g):
            for b in range(_NBUF):
                wait_gather(b)
                fire_store(b, g + b)
            for b in range(_NBUF):
                w2 = g + _NBUF + b

                @pl.when(w2 < nwin)
                def _():
                    wait_store(b, g + b)
                    fire_gather(b, w2)

        for b in range(_NBUF):
            wait_store(b, nwin - _NBUF + b)

    return gather_kernel(table, idx_rows)


def kernel(indices, embedding):
    b, s = indices.shape
    v, d = embedding.shape
    flat = indices.reshape(-1, _W).astype(jnp.int32)
    out = _sc_gather(embedding, flat, b * s, d)
    return out.reshape(b, s, d)

# --- scband reference (transcript-rebuilt; emitter-appended) ---
"""Pipeline reference for scband-decoder-37967510896910 (READ-ONLY COPY).

The authoritative reference and input builder live on the scoring server;
editing this copy changes nothing except your own understanding.
"""

import jax, jax.numpy as jnp
import numpy as np

VOCAB_SIZE = 100000
D_MODEL = 128
BATCH = 1024
SEQ = 200


def setup_inputs(seed: int = 0) -> dict:
    key = jax.random.key(seed)
    k_idx, k_emb = jax.random.split(key)
    indices = jax.random.randint(k_idx, (BATCH, SEQ), 0, VOCAB_SIZE, dtype=jnp.int64 if jax.config.jax_enable_x64 else jnp.int32)
    embedding = jax.random.normal(k_emb, (VOCAB_SIZE, D_MODEL), dtype=jnp.float32) * 0.02
    return {"indices": indices, "embedding": embedding}


def reference(indices, embedding):
    # Decoder token embedding lookup: nn.Embedding(vocab_size, d_model)(indices)
    return jnp.take(embedding, indices, axis=0)

if __name__ == "__main__":
    import jax
    _d = setup_inputs()
    print(jax.jit(kernel)(*tuple(_d.values())))

</pallas_src>

<mosaic_0001>
#map = affine_map<(d0, d1) -> (0, 0)>
module attributes {stable_mosaic.version = 14 : i64} {
  func.func @gather_kernel(%arg0: i32, %arg1: i32, %arg2: memref<100000x128xf32, #tpu.memory_space<hbm>>, %arg3: memref<1600x128xi32, #tpu.memory_space<hbm>>, %arg4: memref<204800x128xf32, #tpu.memory_space<hbm>>, %arg5: memref<5x128xi32, #tpu.memory_space<vmem>>, %arg6: memref<5x128x128xf32, #tpu.memory_space<vmem>>, %arg7: memref<5x!tpu.dma_semaphore, #tpu.memory_space<semaphore_mem>>, %arg8: memref<5x!tpu.dma_semaphore, #tpu.memory_space<semaphore_mem>>) attributes {dimension_semantics = [#tpu.dimension_semantics<core_parallel>, #tpu.dimension_semantics<subcore_parallel>], iteration_bounds = array<i64: 2, 16>, scalar_prefetch = 0 : i64, scratch_operands = 4 : i64, tpu.core_type = #tpu.core_type<sc_vector_subcore>, window_params = [{transform_indices = #map}, {transform_indices = #map}, {transform_indices = #map}]} {
    %mul3A = arith.constant 2 : i32
    %mul3A_0 = arith.muli %arg1, %mul3A : i32
    %add3A = arith.addi %mul3A_0, %arg0 : i32
    %mul3A_1 = arith.constant 50 : i32
    %mul3A_2 = arith.muli %add3A, %mul3A_1 : i32
    %add3A_3 = arith.constant 0 : i32
    %add3A_4 = arith.addi %mul3A_2, %add3A_3 : i32
    %run_scoped3A = arith.constant 0 : i32
    "tpu.region"() ({
      %run_scoped3A_194 = tpu.sem_alloc : memref<!tpu.dma_semaphore, #tpu.memory_space<semaphore_mem>>
      %dma_start3A_195 = arith.constant 0 : i32
      %dma_start3A_196 = tpu.memref_slice %arg5[%run_scoped3A, %dma_start3A_195] : memref<5x128xi32, #tpu.memory_space<vmem>> -> memref<1x128xi32, #tpu.memory_space<vmem>>
      %dma_start3A_197 = tpu.memref_squeeze %dma_start3A_196 : memref<1x128xi32, #tpu.memory_space<vmem>> -> memref<128xi32, #tpu.memory_space<vmem>>
      %dma_start3A_198 = arith.constant 0 : i32
      %dma_start3A_199 = tpu.memref_slice %arg3[%add3A_4, %dma_start3A_198] : memref<1600x128xi32, #tpu.memory_space<hbm>> -> memref<1x128xi32, #tpu.memory_space<hbm>>
      %dma_start3A_200 = tpu.memref_squeeze %dma_start3A_199 : memref<1x128xi32, #tpu.memory_space<hbm>> -> memref<128xi32, #tpu.memory_space<hbm>>
      %dma_start3A_201 = arith.constant 0 : i32
      %dma_start3A_202 = tpu.memref_slice %arg5[%run_scoped3A, %dma_start3A_201] : memref<5x128xi32, #tpu.memory_space<vmem>> -> memref<1x128xi32, #tpu.memory_space<vmem>>
      %dma_start3A_203 = tpu.memref_squeeze %dma_start3A_202 : memref<1x128xi32, #tpu.memory_space<vmem>> -> memref<128xi32, #tpu.memory_space<vmem>>
      %dma_start3A_204 = arith.constant 0 : i32
      %dma_start3A_205 = tpu.memref_slice %arg3[%add3A_4, %dma_start3A_204] : memref<1600x128xi32, #tpu.memory_space<hbm>> -> memref<1x128xi32, #tpu.memory_space<hbm>>
      %dma_start3A_206 = tpu.memref_squeeze %dma_start3A_205 : memref<1x128xi32, #tpu.memory_space<hbm>> -> memref<128xi32, #tpu.memory_space<hbm>>
      tpu.enqueue_dma source(%dma_start3A_206 : memref<128xi32, #tpu.memory_space<hbm>>) target(%dma_start3A_203 : memref<128xi32, #tpu.memory_space<vmem>>) target_semaphore(%run_scoped3A_194 : memref<!tpu.dma_semaphore, #tpu.memory_space<semaphore_mem>>)
      %dma_wait3A_207 = arith.constant 0 : i32
      %dma_wait3A_208 = tpu.memref_slice %arg5[%run_scoped3A, %dma_wait3A_207] : memref<5x128xi32, #tpu.memory_space<vmem>> -> memref<1x128xi32, #tpu.memory_space<vmem>>
      %dma_wait3A_209 = tpu.memref_squeeze %dma_wait3A_208 : memref<1x128xi32, #tpu.memory_space<vmem>> -> memref<128xi32, #tpu.memory_space<vmem>>
      %dma_wait3A_210 = arith.constant 0 : i32
      %dma_wait3A_211 = tpu.memref_slice %arg3[%add3A_4, %dma_wait3A_210] : memref<1600x128xi32, #tpu.memory_space<hbm>> -> memref<1x128xi32, #tpu.memory_space<hbm>>
      %dma_wait3A_212 = tpu.memref_squeeze %dma_wait3A_211 : memref<1x128xi32, #tpu.memory_space<hbm>> -> memref<128xi32, #tpu.memory_space<hbm>>
      %dma_wait3A_213 = arith.constant 0 : i32
      %dma_wait3A_214 = tpu.memref_slice %arg5[%run_scoped3A, %dma_wait3A_213] : memref<5x128xi32, #tpu.memory_space<vmem>> -> memref<1x128xi32, #tpu.memory_space<vmem>>
      %dma_wait3A_215 = tpu.memref_squeeze %dma_wait3A_214 : memref<1x128xi32, #tpu.memory_space<vmem>> -> memref<128xi32, #tpu.memory_space<vmem>>
      %dma_wait3A_216 = arith.constant 0 : i32
      %dma_wait3A_217 = tpu.memref_slice %arg3[%add3A_4, %dma_wait3A_216] : memref<1600x128xi32, #tpu.memory_space<hbm>> -> memref<1x128xi32, #tpu.memory_space<hbm>>
      %dma_wait3A_218 = tpu.memref_squeeze %dma_wait3A_217 : memref<1x128xi32, #tpu.memory_space<hbm>> -> memref<128xi32, #tpu.memory_space<hbm>>
      tpu.wait_dma2 semaphore(%run_scoped3A_194 : memref<!tpu.dma_semaphore, #tpu.memory_space<semaphore_mem>>) src(%dma_wait3A_218 : memref<128xi32, #tpu.memory_space<hbm>>) dst(%dma_wait3A_215 : memref<128xi32, #tpu.memory_space<vmem>>)
      tpu.yield
    }) : () -> ()
    %dma_start3A = arith.constant 0 : i32
    %dma_start3A_5 = arith.constant 0 : i32
    %dma_start3A_6 = arith.constant 0 : i32
    %dma_start3A_7 = arith.constant 0 : i32
    %dma_start3A_8 = arith.constant 0 : i32
    %dma_start3A_9 = tpu.memref_slice %arg6[%dma_start3A_5, %dma_start3A_7, %dma_start3A_8] : memref<5x128x128xf32, #tpu.memory_space<vmem>> -> memref<1x128x128xf32, #tpu.memory_space<vmem>>
    %dma_start3A_10 = tpu.memref_squeeze %dma_start3A_9 : memref<1x128x128xf32, #tpu.memory_space<vmem>> -> memref<128x128xf32, #tpu.memory_space<vmem>>
    %dma_start3A_11 = arith.constant 0 : i32
    %dma_start3A_12 = tpu.memref_slice %arg5[%dma_start3A, %dma_start3A_11] : memref<5x128xi32, #tpu.memory_space<vmem>> -> memref<1x128xi32, #tpu.memory_space<vmem>>
    %dma_start3A_13 = tpu.memref_squeeze %dma_start3A_12 : memref<1x128xi32, #tpu.memory_space<vmem>> -> memref<128xi32, #tpu.memory_space<vmem>>
    %dma_start3A_14 = arith.constant 0 : i32
    %dma_start3A_15 = arith.constant 0 : i32
    %dma_start3A_16 = tpu.memref_slice %arg2[%dma_start3A_14, %dma_start3A_15] : memref<100000x128xf32, #tpu.memory_space<hbm>> -> memref<100000x128xf32, #tpu.memory_space<hbm>>
    %dma_start3A_17 = tpu.memref_slice %arg7[%dma_start3A_6] : memref<5x!tpu.dma_semaphore, #tpu.memory_space<semaphore_mem>> -> memref<1x!tpu.dma_semaphore, #tpu.memory_space<semaphore_mem>>
    %dma_start3A_18 = tpu.memref_squeeze %dma_start3A_17 : memref<1x!tpu.dma_semaphore, #tpu.memory_space<semaphore_mem>> -> memref<!tpu.dma_semaphore, #tpu.memory_space<semaphore_mem>>
    tpu.enqueue_indirect_dma source(%dma_start3A_16 : memref<100000x128xf32, #tpu.memory_space<hbm>>) target(%dma_start3A_10 : memref<128x128xf32, #tpu.memory_space<vmem>>) offsets(%dma_start3A_13 : memref<128xi32, #tpu.memory_space<vmem>>) semaphore(%dma_start3A_18 : memref<!tpu.dma_semaphore, #tpu.memory_space<semaphore_mem>>)
    %add3A_19 = arith.constant 1 : i32
    %add3A_20 = arith.addi %mul3A_2, %add3A_19 : i32
    %run_scoped3A_21 = arith.constant 1 : i32
    "tpu.region"() ({
      %run_scoped3A_194 = tpu.sem_alloc : memref<!tpu.dma_semaphore, #tpu.memory_space<semaphore_mem>>
      %dma_start3A_195 = arith.constant 0 : i32
      %dma_start3A_196 = tpu.memref_slice %arg5[%run_scoped3A_21, %dma_start3A_195] : memref<5x128xi32, #tpu.memory_space<vmem>> -> memref<1x128xi32, #tpu.memory_space<vmem>>
      %dma_start3A_197 = tpu.memref_squeeze %dma_start3A_196 : memref<1x128xi32, #tpu.memory_space<vmem>> -> memref<128xi32, #tpu.memory_space<vmem>>
      %dma_start3A_198 = arith.constant 0 : i32
      %dma_start3A_199 = tpu.memref_slice %arg3[%add3A_20, %dma_start3A_198] : memref<1600x128xi32, #tpu.memory_space<hbm>> -> memref<1x128xi32, #tpu.memory_space<hbm>>
      %dma_start3A_200 = tpu.memref_squeeze %dma_start3A_199 : memref<1x128xi32, #tpu.memory_space<hbm>> -> memref<128xi32, #tpu.memory_space<hbm>>
      %dma_start3A_201 = arith.constant 0 : i32
      %dma_start3A_202 = tpu.memref_slice %arg5[%run_scoped3A_21, %dma_start3A_201] : memref<5x128xi32, #tpu.memory_space<vmem>> -> memref<1x128xi32, #tpu.memory_space<vmem>>
      %dma_start3A_203 = tpu.memref_squeeze %dma_start3A_202 : memref<1x128xi32, #tpu.memory_space<vmem>> -> memref<128xi32, #tpu.memory_space<vmem>>
      %dma_start3A_204 = arith.constant 0 : i32
      %dma_start3A_205 = tpu.memref_slice %arg3[%add3A_20, %dma_start3A_204] : memref<1600x128xi32, #tpu.memory_space<hbm>> -> memref<1x128xi32, #tpu.memory_space<hbm>>
      %dma_start3A_206 = tpu.memref_squeeze %dma_start3A_205 : memref<1x128xi32, #tpu.memory_space<hbm>> -> memref<128xi32, #tpu.memory_space<hbm>>
      tpu.enqueue_dma source(%dma_start3A_206 : memref<128xi32, #tpu.memory_space<hbm>>) target(%dma_start3A_203 : memref<128xi32, #tpu.memory_space<vmem>>) target_semaphore(%run_scoped3A_194 : memref<!tpu.dma_semaphore, #tpu.memory_space<semaphore_mem>>)
      %dma_wait3A_207 = arith.constant 0 : i32
      %dma_wait3A_208 = tpu.memref_slice %arg5[%run_scoped3A_21, %dma_wait3A_207] : memref<5x128xi32, #tpu.memory_space<vmem>> -> memref<1x128xi32, #tpu.memory_space<vmem>>
      %dma_wait3A_209 = tpu.memref_squeeze %dma_wait3A_208 : memref<1x128xi32, #tpu.memory_space<vmem>> -> memref<128xi32, #tpu.memory_space<vmem>>
      %dma_wait3A_210 = arith.constant 0 : i32
      %dma_wait3A_211 = tpu.memref_slice %arg3[%add3A_20, %dma_wait3A_210] : memref<1600x128xi32, #tpu.memory_space<hbm>> -> memref<1x128xi32, #tpu.memory_space<hbm>>
      %dma_wait3A_212 = tpu.memref_squeeze %dma_wait3A_211 : memref<1x128xi32, #tpu.memory_space<hbm>> -> memref<128xi32, #tpu.memory_space<hbm>>
      %dma_wait3A_213 = arith.constant 0 : i32
      %dma_wait3A_214 = tpu.memref_slice %arg5[%run_scoped3A_21, %dma_wait3A_213] : memref<5x128xi32, #tpu.memory_space<vmem>> -> memref<1x128xi32, #tpu.memory_space<vmem>>
      %dma_wait3A_215 = tpu.memref_squeeze %dma_wait3A_214 : memref<1x128xi32, #tpu.memory_space<vmem>> -> memref<128xi32, #tpu.memory_space<vmem>>
      %dma_wait3A_216 = arith.constant 0 : i32
      %dma_wait3A_217 = tpu.memref_slice %arg3[%add3A_20, %dma_wait3A_216] : memref<1600x128xi32, #tpu.memory_space<hbm>> -> memref<1x128xi32, #tpu.memory_space<hbm>>
      %dma_wait3A_218 = tpu.memref_squeeze %dma_wait3A_217 : memref<1x128xi32, #tpu.memory_space<hbm>> -> memref<128xi32, #tpu.memory_space<hbm>>
      tpu.wait_dma2 semaphore(%run_scoped3A_194 : memref<!tpu.dma_semaphore, #tpu.memory_space<semaphore_mem>>) src(%dma_wait3A_218 : memref<128xi32, #tpu.memory_space<hbm>>) dst(%dma_wait3A_215 : memref<128xi32, #tpu.memory_space<vmem>>)
      tpu.yield
    }) : () -> ()
    %dma_start3A_22 = arith.constant 1 : i32
    %dma_start3A_23 = arith.constant 1 : i32
    %dma_start3A_24 = arith.constant 1 : i32
    %dma_start3A_25 = arith.constant 0 : i32
    %dma_start3A_26 = arith.constant 0 : i32
    %dma_start3A_27 = tpu.memref_slice %arg6[%dma_start3A_23, %dma_start3A_25, %dma_start3A_26] : memref<5x128x128xf32, #tpu.memory_space<vmem>> -> memref<1x128x128xf32, #tpu.memory_space<vmem>>
    %dma_start3A_28 = tpu.memref_squeeze %dma_start3A_27 : memref<1x128x128xf32, #tpu.memory_space<vmem>> -> memref<128x128xf32, #tpu.memory_space<vmem>>
    %dma_start3A_29 = arith.constant 0 : i32
    %dma_start3A_30 = tpu.memref_slice %arg5[%dma_start3A_22, %dma_start3A_29] : memref<5x128xi32, #tpu.memory_space<vmem>> -> memref<1x128xi32, #tpu.memory_space<vmem>>
    %dma_start3A_31 = tpu.memref_squeeze %dma_start3A_30 : memref<1x128xi32, #tpu.memory_space<vmem>> -> memref<128xi32, #tpu.memory_space<vmem>>
    %dma_start3A_32 = arith.constant 0 : i32
    %dma_start3A_33 = arith.constant 0 : i32
    %dma_start3A_34 = tpu.memref_slice %arg2[%dma_start3A_32, %dma_start3A_33] : memref<100000x128xf32, #tpu.memory_space<hbm>> -> memref<100000x128xf32, #tpu.memory_space<hbm>>
    %dma_start3A_35 = tpu.memref_slice %arg7[%dma_start3A_24] : memref<5x!tpu.dma_semaphore, #tpu.memory_space<semaphore_mem>> -> memref<1x!tpu.dma_semaphore, #tpu.memory_space<semaphore_mem>>
    %dma_start3A_36 = tpu.memref_squeeze %dma_start3A_35 : memref<1x!tpu.dma_semaphore, #tpu.memory_space<semaphore_mem>> -> memref<!tpu.dma_semaphore, #tpu.memory_space<semaphore_mem>>
    tpu.enqueue_indirect_dma source(%dma_start3A_34 : memref<100000x128xf32, #tpu.memory_space<hbm>>) target(%dma_start3A_28 : memref<128x128xf32, #tpu.memory_space<vmem>>) offsets(%dma_start3A_31 : memref<128xi32, #tpu.memory_space<vmem>>) semaphore(%dma_start3A_36 : memref<!tpu.dma_semaphore, #tpu.memory_space<semaphore_mem>>)
    %add3A_37 = arith.constant 2 : i32
    %add3A_38 = arith.addi %mul3A_2, %add3A_37 : i32
    %run_scoped3A_39 = arith.constant 2 : i32
    "tpu.region"() ({
      %run_scoped3A_194 = tpu.sem_alloc : memref<!tpu.dma_semaphore, #tpu.memory_space<semaphore_mem>>
      %dma_start3A_195 = arith.constant 0 : i32
      %dma_start3A_196 = tpu.memref_slice %arg5[%run_scoped3A_39, %dma_start3A_195] : memref<5x128xi32, #tpu.memory_space<vmem>> -> memref<1x128xi32, #tpu.memory_space<vmem>>
      %dma_start3A_197 = tpu.memref_squeeze %dma_start3A_196 : memref<1x128xi32, #tpu.memory_space<vmem>> -> memref<128xi32, #tpu.memory_space<vmem>>
      %dma_start3A_198 = arith.constant 0 : i32
      %dma_start3A_199 = tpu.memref_slice %arg3[%add3A_38, %dma_start3A_198] : memref<1600x128xi32, #tpu.memory_space<hbm>> -> memref<1x128xi32, #tpu.memory_space<hbm>>
      %dma_start3A_200 = tpu.memref_squeeze %dma_start3A_199 : memref<1x128xi32, #tpu.memory_space<hbm>> -> memref<128xi32, #tpu.memory_space<hbm>>
      %dma_start3A_201 = arith.constant 0 : i32
      %dma_start3A_202 = tpu.memref_slice %arg5[%run_scoped3A_39, %dma_start3A_201] : memref<5x128xi32, #tpu.memory_space<vmem>> -> memref<1x128xi32, #tpu.memory_space<vmem>>
      %dma_start3A_203 = tpu.memref_squeeze %dma_start3A_202 : memref<1x128xi32, #tpu.memory_space<vmem>> -> memref<128xi32, #tpu.memory_space<vmem>>
      %dma_start3A_204 = arith.constant 0 : i32
      %dma_start3A_205 = tpu.memref_slice %arg3[%add3A_38, %dma_start3A_204] : memref<1600x128xi32, #tpu.memory_space<hbm>> -> memref<1x128xi32, #tpu.memory_space<hbm>>
      %dma_start3A_206 = tpu.memref_squeeze %dma_start3A_205 : memref<1x128xi32, #tpu.memory_space<hbm>> -> memref<128xi32, #tpu.memory_space<hbm>>
      tpu.enqueue_dma source(%dma_start3A_206 : memref<128xi32, #tpu.memory_space<hbm>>) target(%dma_start3A_203 : memref<128xi32, #tpu.memory_space<vmem>>) target_semaphore(%run_scoped3A_194 : memref<!tpu.dma_semaphore, #tpu.memory_space<semaphore_mem>>)
      %dma_wait3A_207 = arith.constant 0 : i32
      %dma_wait3A_208 = tpu.memref_slice %arg5[%run_scoped3A_39, %dma_wait3A_207] : memref<5x128xi32, #tpu.memory_space<vmem>> -> memref<1x128xi32, #tpu.memory_space<vmem>>
      %dma_wait3A_209 = tpu.memref_squeeze %dma_wait3A_208 : memref<1x128xi32, #tpu.memory_space<vmem>> -> memref<128xi32, #tpu.memory_space<vmem>>
      %dma_wait3A_210 = arith.constant 0 : i32
      %dma_wait3A_211 = tpu.memref_slice %arg3[%add3A_38, %dma_wait3A_210] : memref<1600x128xi32, #tpu.memory_space<hbm>> -> memref<1x128xi32, #tpu.memory_space<hbm>>
      %dma_wait3A_212 = tpu.memref_squeeze %dma_wait3A_211 : memref<1x128xi32, #tpu.memory_space<hbm>> -> memref<128xi32, #tpu.memory_space<hbm>>
      %dma_wait3A_213 = arith.constant 0 : i32
      %dma_wait3A_214 = tpu.memref_slice %arg5[%run_scoped3A_39, %dma_wait3A_213] : memref<5x128xi32, #tpu.memory_space<vmem>> -> memref<1x128xi32, #tpu.memory_space<vmem>>
      %dma_wait3A_215 = tpu.memref_squeeze %dma_wait3A_214 : memref<1x128xi32, #tpu.memory_space<vmem>> -> memref<128xi32, #tpu.memory_space<vmem>>
      %dma_wait3A_216 = arith.constant 0 : i32
      %dma_wait3A_217 = tpu.memref_slice %arg3[%add3A_38, %dma_wait3A_216] : memref<1600x128xi32, #tpu.memory_space<hbm>> -> memref<1x128xi32, #tpu.memory_space<hbm>>
      %dma_wait3A_218 = tpu.memref_squeeze %dma_wait3A_217 : memref<1x128xi32, #tpu.memory_space<hbm>> -> memref<128xi32, #tpu.memory_space<hbm>>
      tpu.wait_dma2 semaphore(%run_scoped3A_194 : memref<!tpu.dma_semaphore, #tpu.memory_space<semaphore_mem>>) src(%dma_wait3A_218 : memref<128xi32, #tpu.memory_space<hbm>>) dst(%dma_wait3A_215 : memref<128xi32, #tpu.memory_space<vmem>>)
      tpu.yield
    }) : () -> ()
    %dma_start3A_40 = arith.constant 2 : i32
    %dma_start3A_41 = arith.constant 2 : i32
    %dma_start3A_42 = arith.constant 2 : i32
    %dma_start3A_43 = arith.constant 0 : i32
    %dma_start3A_44 = arith.constant 0 : i32
    %dma_start3A_45 = tpu.memref_slice %arg6[%dma_start3A_41, %dma_start3A_43, %dma_start3A_44] : memref<5x128x128xf32, #tpu.memory_space<vmem>> -> memref<1x128x128xf32, #tpu.memory_space<vmem>>
    %dma_start3A_46 = tpu.memref_squeeze %dma_start3A_45 : memref<1x128x128xf32, #tpu.memory_space<vmem>> -> memref<128x128xf32, #tpu.memory_space<vmem>>
    %dma_start3A_47 = arith.constant 0 : i32
    %dma_start3A_48 = tpu.memref_slice %arg5[%dma_start3A_40, %dma_start3A_47] : memref<5x128xi32, #tpu.memory_space<vmem>> -> memref<1x128xi32, #tpu.memory_space<vmem>>
    %dma_start3A_49 = tpu.memref_squeeze %dma_start3A_48 : memref<1x128xi32, #tpu.memory_space<vmem>> -> memref<128xi32, #tpu.memory_space<vmem>>
    %dma_start3A_50 = arith.constant 0 : i32
    %dma_start3A_51 = arith.constant 0 : i32
    %dma_start3A_52 = tpu.memref_slice %arg2[%dma_start3A_50, %dma_start3A_51] : memref<100000x128xf32, #tpu.memory_space<hbm>> -> memref<100000x128xf32, #tpu.memory_space<hbm>>
    %dma_start3A_53 = tpu.memref_slice %arg7[%dma_start3A_42] : memref<5x!tpu.dma_semaphore, #tpu.memory_space<semaphore_mem>> -> memref<1x!tpu.dma_semaphore, #tpu.memory_space<semaphore_mem>>
    %dma_start3A_54 = tpu.memref_squeeze %dma_start3A_53 : memref<1x!tpu.dma_semaphore, #tpu.memory_space<semaphore_mem>> -> memref<!tpu.dma_semaphore, #tpu.memory_space<semaphore_mem>>
    tpu.enqueue_indirect_dma source(%dma_start3A_52 : memref<100000x128xf32, #tpu.memory_space<hbm>>) target(%dma_start3A_46 : memref<128x128xf32, #tpu.memory_space<vmem>>) offsets(%dma_start3A_49 : memref<128xi32, #tpu.memory_space<vmem>>) semaphore(%dma_start3A_54 : memref<!tpu.dma_semaphore, #tpu.memory_space<semaphore_mem>>)
    %add3A_55 = arith.constant 3 : i32
    %add3A_56 = arith.addi %mul3A_2, %add3A_55 : i32
    %run_scoped3A_57 = arith.constant 3 : i32
    "tpu.region"() ({
      %run_scoped3A_194 = tpu.sem_alloc : memref<!tpu.dma_semaphore, #tpu.memory_space<semaphore_mem>>
      %dma_start3A_195 = arith.constant 0 : i32
      %dma_start3A_196 = tpu.memref_slice %arg5[%run_scoped3A_57, %dma_start3A_195] : memref<5x128xi32, #tpu.memory_space<vmem>> -> memref<1x128xi32, #tpu.memory_space<vmem>>
      %dma_start3A_197 = tpu.memref_squeeze %dma_start3A_196 : memref<1x128xi32, #tpu.memory_space<vmem>> -> memref<128xi32, #tpu.memory_space<vmem>>
      %dma_start3A_198 = arith.constant 0 : i32
      %dma_start3A_199 = tpu.memref_slice %arg3[%add3A_56, %dma_start3A_198] : memref<1600x128xi32, #tpu.memory_space<hbm>> -> memref<1x128xi32, #tpu.memory_space<hbm>>
      %dma_start3A_200 = tpu.memref_squeeze %dma_start3A_199 : memref<1x128xi32, #tpu.memory_space<hbm>> -> memref<128xi32, #tpu.memory_space<hbm>>
      %dma_start3A_201 = arith.constant 0 : i32
      %dma_start3A_202 = tpu.memref_slice %arg5[%run_scoped3A_57, %dma_start3A_201] : memref<5x128xi32, #tpu.memory_space<vmem>> -> memref<1x128xi32, #tpu.memory_space<vmem>>
      %dma_start3A_203 = tpu.memref_squeeze %dma_start3A_202 : memref<1x128xi32, #tpu.memory_space<vmem>> -> memref<128xi32, #tpu.memory_space<vmem>>
      %dma_start3A_204 = arith.constant 0 : i32
      %dma_start3A_205 = tpu.memref_slice %arg3[%add3A_56, %dma_start3A_204] : memref<1600x128xi32, #tpu.memory_space<hbm>> -> memref<1x128xi32, #tpu.memory_space<hbm>>
      %dma_start3A_206 = tpu.memref_squeeze %dma_start3A_205 : memref<1x128xi32, #tpu.memory_space<hbm>> -> memref<128xi32, #tpu.memory_space<hbm>>
      tpu.enqueue_dma source(%dma_start3A_206 : memref<128xi32, #tpu.memory_space<hbm>>) target(%dma_start3A_203 : memref<128xi32, #tpu.memory_space<vmem>>) target_semaphore(%run_scoped3A_194 : memref<!tpu.dma_semaphore, #tpu.memory_space<semaphore_mem>>)
      %dma_wait3A_207 = arith.constant 0 : i32
      %dma_wait3A_208 = tpu.memref_slice %arg5[%run_scoped3A_57, %dma_wait3A_207] : memref<5x128xi32, #tpu.memory_space<vmem>> -> memref<1x128xi32, #tpu.memory_space<vmem>>
      %dma_wait3A_209 = tpu.memref_squeeze %dma_wait3A_208 : memref<1x128xi32, #tpu.memory_space<vmem>> -> memref<128xi32, #tpu.memory_space<vmem>>
      %dma_wait3A_210 = arith.constant 0 : i32
      %dma_wait3A_211 = tpu.memref_slice %arg3[%add3A_56, %dma_wait3A_210] : memref<1600x128xi32, #tpu.memory_space<hbm>> -> memref<1x128xi32, #tpu.memory_space<hbm>>
      %dma_wait3A_212 = tpu.memref_squeeze %dma_wait3A_211 : memref<1x128xi32, #tpu.memory_space<hbm>> -> memref<128xi32, #tpu.memory_space<hbm>>
      %dma_wait3A_213 = arith.constant 0 : i32
      %dma_wait3A_214 = tpu.memref_slice %arg5[%run_scoped3A_57, %dma_wait3A_213] : memref<5x128xi32, #tpu.memory_space<vmem>> -> memref<1x128xi32, #tpu.memory_space<vmem>>
      %dma_wait3A_215 = tpu.memref_squeeze %dma_wait3A_214 : memref<1x128xi32, #tpu.memory_space<vmem>> -> memref<128xi32, #tpu.memory_space<vmem>>
      %dma_wait3A_216 = arith.constant 0 : i32
      %dma_wait3A_217 = tpu.memref_slice %arg3[%add3A_56, %dma_wait3A_216] : memref<1600x128xi32, #tpu.memory_space<hbm>> -> memref<1x128xi32, #tpu.memory_space<hbm>>
      %dma_wait3A_218 = tpu.memref_squeeze %dma_wait3A_217 : memref<1x128xi32, #tpu.memory_space<hbm>> -> memref<128xi32, #tpu.memory_space<hbm>>
      tpu.wait_dma2 semaphore(%run_scoped3A_194 : memref<!tpu.dma_semaphore, #tpu.memory_space<semaphore_mem>>) src(%dma_wait3A_218 : memref<128xi32, #tpu.memory_space<hbm>>) dst(%dma_wait3A_215 : memref<128xi32, #tpu.memory_space<vmem>>)
      tpu.yield
    }) : () -> ()
    %dma_start3A_58 = arith.constant 3 : i32
    %dma_start3A_59 = arith.constant 3 : i32
    %dma_start3A_60 = arith.constant 3 : i32
    %dma_start3A_61 = arith.constant 0 : i32
    %dma_start3A_62 = arith.constant 0 : i32
    %dma_start3A_63 = tpu.memref_slice %arg6[%dma_start3A_59, %dma_start3A_61, %dma_start3A_62] : memref<5x128x128xf32, #tpu.memory_space<vmem>> -> memref<1x128x128xf32, #tpu.memory_space<vmem>>
    %dma_start3A_64 = tpu.memref_squeeze %dma_start3A_63 : memref<1x128x128xf32, #tpu.memory_space<vmem>> -> memref<128x128xf32, #tpu.memory_space<vmem>>
    %dma_start3A_65 = arith.constant 0 : i32
    %dma_start3A_66 = tpu.memref_slice %arg5[%dma_start3A_58, %dma_start3A_65] : memref<5x128xi32, #tpu.memory_space<vmem>> -> memref<1x128xi32, #tpu.memory_space<vmem>>
    %dma_start3A_67 = tpu.memref_squeeze %dma_start3A_66 : memref<1x128xi32, #tpu.memory_space<vmem>> -> memref<128xi32, #tpu.memory_space<vmem>>
    %dma_start3A_68 = arith.constant 0 : i32
    %dma_start3A_69 = arith.constant 0 : i32
    %dma_start3A_70 = tpu.memref_slice %arg2[%dma_start3A_68, %dma_start3A_69] : memref<100000x128xf32, #tpu.memory_space<hbm>> -> memref<100000x128xf32, #tpu.memory_space<hbm>>
    %dma_start3A_71 = tpu.memref_slice %arg7[%dma_start3A_60] : memref<5x!tpu.dma_semaphore, #tpu.memory_space<semaphore_mem>> -> memref<1x!tpu.dma_semaphore, #tpu.memory_space<semaphore_mem>>
    %dma_start3A_72 = tpu.memref_squeeze %dma_start3A_71 : memref<1x!tpu.dma_semaphore, #tpu.memory_space<semaphore_mem>> -> memref<!tpu.dma_semaphore, #tpu.memory_space<semaphore_mem>>
    tpu.enqueue_indirect_dma source(%dma_start3A_70 : memref<100000x128xf32, #tpu.memory_space<hbm>>) target(%dma_start3A_64 : memref<128x128xf32, #tpu.memory_space<vmem>>) offsets(%dma_start3A_67 : memref<128xi32, #tpu.memory_space<vmem>>) semaphore(%dma_start3A_72 : memref<!tpu.dma_semaphore, #tpu.memory_space<semaphore_mem>>)
    %add3A_73 = arith.constant 4 : i32
    %add3A_74 = arith.addi %mul3A_2, %add3A_73 : i32
    %run_scoped3A_75 = arith.constant 4 : i32
    "tpu.region"() ({
      %run_scoped3A_194 = tpu.sem_alloc : memref<!tpu.dma_semaphore, #tpu.memory_space<semaphore_mem>>
      %dma_start3A_195 = arith.constant 0 : i32
      %dma_start3A_196 = tpu.memref_slice %arg5[%run_scoped3A_75, %dma_start3A_195] : memref<5x128xi32, #tpu.memory_space<vmem>> -> memref<1x128xi32, #tpu.memory_space<vmem>>
      %dma_start3A_197 = tpu.memref_squeeze %dma_start3A_196 : memref<1x128xi32, #tpu.memory_space<vmem>> -> memref<128xi32, #tpu.memory_space<vmem>>
      %dma_start3A_198 = arith.constant 0 : i32
      %dma_start3A_199 = tpu.memref_slice %arg3[%add3A_74, %dma_start3A_198] : memref<1600x128xi32, #tpu.memory_space<hbm>> -> memref<1x128xi32, #tpu.memory_space<hbm>>
      %dma_start3A_200 = tpu.memref_squeeze %dma_start3A_199 : memref<1x128xi32, #tpu.memory_space<hbm>> -> memref<128xi32, #tpu.memory_space<hbm>>
      %dma_start3A_201 = arith.constant 0 : i32
      %dma_start3A_202 = tpu.memref_slice %arg5[%run_scoped3A_75, %dma_start3A_201] : memref<5x128xi32, #tpu.memory_space<vmem>> -> memref<1x128xi32, #tpu.memory_space<vmem>>
      %dma_start3A_203 = tpu.memref_squeeze %dma_start3A_202 : memref<1x128xi32, #tpu.memory_space<vmem>> -> memref<128xi32, #tpu.memory_space<vmem>>
      %dma_start3A_204 = arith.constant 0 : i32
      %dma_start3A_205 = tpu.memref_slice %arg3[%add3A_74, %dma_start3A_204] : memref<1600x128xi32, #tpu.memory_space<hbm>> -> memref<1x128xi32, #tpu.memory_space<hbm>>
      %dma_start3A_206 = tpu.memref_squeeze %dma_start3A_205 : memref<1x128xi32, #tpu.memory_space<hbm>> -> memref<128xi32, #tpu.memory_space<hbm>>
      tpu.enqueue_dma source(%dma_start3A_206 : memref<128xi32, #tpu.memory_space<hbm>>) target(%dma_start3A_203 : memref<128xi32, #tpu.memory_space<vmem>>) target_semaphore(%run_scoped3A_194 : memref<!tpu.dma_semaphore, #tpu.memory_space<semaphore_mem>>)
      %dma_wait3A_207 = arith.constant 0 : i32
      %dma_wait3A_208 = tpu.memref_slice %arg5[%run_scoped3A_75, %dma_wait3A_207] : memref<5x128xi32, #tpu.memory_space<vmem>> -> memref<1x128xi32, #tpu.memory_space<vmem>>
      %dma_wait3A_209 = tpu.memref_squeeze %dma_wait3A_208 : memref<1x128xi32, #tpu.memory_space<vmem>> -> memref<128xi32, #tpu.memory_space<vmem>>
      %dma_wait3A_210 = arith.constant 0 : i32
      %dma_wait3A_211 = tpu.memref_slice %arg3[%add3A_74, %dma_wait3A_210] : memref<1600x128xi32, #tpu.memory_space<hbm>> -> memref<1x128xi32, #tpu.memory_space<hbm>>
      %dma_wait3A_212 = tpu.memref_squeeze %dma_wait3A_211 : memref<1x128xi32, #tpu.memory_space<hbm>> -> memref<128xi32, #tpu.memory_space<hbm>>
      %dma_wait3A_213 = arith.constant 0 : i32
      %dma_wait3A_214 = tpu.memref_slice %arg5[%run_scoped3A_75, %dma_wait3A_213] : memref<5x128xi32, #tpu.memory_space<vmem>> -> memref<1x128xi32, #tpu.memory_space<vmem>>
      %dma_wait3A_215 = tpu.memref_squeeze %dma_wait3A_214 : memref<1x128xi32, #tpu.memory_space<vmem>> -> memref<128xi32, #tpu.memory_space<vmem>>
      %dma_wait3A_216 = arith.constant 0 : i32
      %dma_wait3A_217 = tpu.memref_slice %arg3[%add3A_74, %dma_wait3A_216] : memref<1600x128xi32, #tpu.memory_space<hbm>> -> memref<1x128xi32, #tpu.memory_space<hbm>>
      %dma_wait3A_218 = tpu.memref_squeeze %dma_wait3A_217 : memref<1x128xi32, #tpu.memory_space<hbm>> -> memref<128xi32, #tpu.memory_space<hbm>>
      tpu.wait_dma2 semaphore(%run_scoped3A_194 : memref<!tpu.dma_semaphore, #tpu.memory_space<semaphore_mem>>) src(%dma_wait3A_218 : memref<128xi32, #tpu.memory_space<hbm>>) dst(%dma_wait3A_215 : memref<128xi32, #tpu.memory_space<vmem>>)
      tpu.yield
    }) : () -> ()
    %dma_start3A_76 = arith.constant 4 : i32
    %dma_start3A_77 = arith.constant 4 : i32
    %dma_start3A_78 = arith.constant 4 : i32
    %dma_start3A_79 = arith.constant 0 : i32
    %dma_start3A_80 = arith.constant 0 : i32
    %dma_start3A_81 = tpu.memref_slice %arg6[%dma_start3A_77, %dma_start3A_79, %dma_start3A_80] : memref<5x128x128xf32, #tpu.memory_space<vmem>> -> memref<1x128x128xf32, #tpu.memory_space<vmem>>
    %dma_start3A_82 = tpu.memref_squeeze %dma_start3A_81 : memref<1x128x128xf32, #tpu.memory_space<vmem>> -> memref<128x128xf32, #tpu.memory_space<vmem>>
    %dma_start3A_83 = arith.constant 0 : i32
    %dma_start3A_84 = tpu.memref_slice %arg5[%dma_start3A_76, %dma_start3A_83] : memref<5x128xi32, #tpu.memory_space<vmem>> -> memref<1x128xi32, #tpu.memory_space<vmem>>
    %dma_start3A_85 = tpu.memref_squeeze %dma_start3A_84 : memref<1x128xi32, #tpu.memory_space<vmem>> -> memref<128xi32, #tpu.memory_space<vmem>>
    %dma_start3A_86 = arith.constant 0 : i32
    %dma_start3A_87 = arith.constant 0 : i32
    %dma_start3A_88 = tpu.memref_slice %arg2[%dma_start3A_86, %dma_start3A_87] : memref<100000x128xf32, #tpu.memory_space<hbm>> -> memref<100000x128xf32, #tpu.memory_space<hbm>>
    %dma_start3A_89 = tpu.memref_slice %arg7[%dma_start3A_78] : memref<5x!tpu.dma_semaphore, #tpu.memory_space<semaphore_mem>> -> memref<1x!tpu.dma_semaphore, #tpu.memory_space<semaphore_mem>>
    %dma_start3A_90 = tpu.memref_squeeze %dma_start3A_89 : memref<1x!tpu.dma_semaphore, #tpu.memory_space<semaphore_mem>> -> memref<!tpu.dma_semaphore, #tpu.memory_space<semaphore_mem>>
    tpu.enqueue_indirect_dma source(%dma_start3A_88 : memref<100000x128xf32, #tpu.memory_space<hbm>>) target(%dma_start3A_82 : memref<128x128xf32, #tpu.memory_space<vmem>>) offsets(%dma_start3A_85 : memref<128xi32, #tpu.memory_space<vmem>>) semaphore(%dma_start3A_90 : memref<!tpu.dma_semaphore, #tpu.memory_space<semaphore_mem>>)
    %scan3A = arith.constant 0 : i32
    %scan3A_91 = arith.constant 10 : i32
    %scan3A_92 = arith.addi %scan3A, %scan3A_91 : i32
    %scan3A_93 = arith.constant 1 : i32
    scf.for %scan3A_194 = %scan3A to %scan3A_92 step %scan3A_93  : i32 {
      %mul3A_195 = arith.constant 5 : i32
      %mul3A_196 = arith.muli %scan3A_194, %mul3A_195 : i32
      %add3A_197 = arith.constant 0 : i32
      %add3A_198 = arith.addi %add3A_197, %mul3A_196 : i32
      %dma_wait3A_199 = arith.constant 0 : i32
      %dma_wait3A_200 = arith.constant 0 : i32
      %dma_wait3A_201 = arith.constant 0 : i32
      %dma_wait3A_202 = arith.constant 0 : i32
      %dma_wait3A_203 = arith.constant 0 : i32
      %dma_wait3A_204 = tpu.memref_slice %arg6[%dma_wait3A_200, %dma_wait3A_202, %dma_wait3A_203] : memref<5x128x128xf32, #tpu.memory_space<vmem>> -> memref<1x128x128xf32, #tpu.memory_space<vmem>>
      %dma_wait3A_205 = tpu.memref_squeeze %dma_wait3A_204 : memref<1x128x128xf32, #tpu.memory_space<vmem>> -> memref<128x128xf32, #tpu.memory_space<vmem>>
      %dma_wait3A_206 = arith.constant 0 : i32
      %dma_wait3A_207 = tpu.memref_slice %arg5[%dma_wait3A_199, %dma_wait3A_206] : memref<5x128xi32, #tpu.memory_space<vmem>> -> memref<1x128xi32, #tpu.memory_space<vmem>>
      %dma_wait3A_208 = tpu.memref_squeeze %dma_wait3A_207 : memref<1x128xi32, #tpu.memory_space<vmem>> -> memref<128xi32, #tpu.memory_space<vmem>>
      %dma_wait3A_209 = arith.constant 0 : i32
      %dma_wait3A_210 = arith.constant 0 : i32
      %dma_wait3A_211 = tpu.memref_slice %arg2[%dma_wait3A_209, %dma_wait3A_210] : memref<100000x128xf32, #tpu.memory_space<hbm>> -> memref<100000x128xf32, #tpu.memory_space<hbm>>
      %dma_wait3A_212 = tpu.memref_slice %arg7[%dma_wait3A_201] : memref<5x!tpu.dma_semaphore, #tpu.memory_space<semaphore_mem>> -> memref<1x!tpu.dma_semaphore, #tpu.memory_space<semaphore_mem>>
      %dma_wait3A_213 = tpu.memref_squeeze %dma_wait3A_212 : memref<1x!tpu.dma_semaphore, #tpu.memory_space<semaphore_mem>> -> memref<!tpu.dma_semaphore, #tpu.memory_space<semaphore_mem>>
      tpu.wait_indirect_dma semaphore(%dma_wait3A_213 : memref<!tpu.dma_semaphore, #tpu.memory_space<semaphore_mem>>) src(%dma_wait3A_211 : memref<100000x128xf32, #tpu.memory_space<hbm>>) dst(%dma_wait3A_205 : memref<128x128xf32, #tpu.memory_space<vmem>>)
      %add3A_214 = arith.constant 0 : i32
      %add3A_215 = arith.addi %add3A_198, %add3A_214 : i32
      %add3A_216 = arith.addi %mul3A_2, %add3A_215 : i32
      %mul3A_217 = arith.constant 128 : i32
      %mul3A_218 = arith.muli %add3A_216, %mul3A_217 : i32
      %dma_start3A_219 = arith.constant 0 : i32
      %dma_start3A_220 = arith.constant 0 : i32
      %dma_start3A_221 = arith.constant 0 : i32
      %dma_start3A_222 = arith.constant 0 : i32
      %dma_start3A_223 = tpu.memref_slice %arg6[%dma_start3A_219, %dma_start3A_221, %dma_start3A_222] : memref<5x128x128xf32, #tpu.memory_space<vmem>> -> memref<1x128x128xf32, #tpu.memory_space<vmem>>
      %dma_start3A_224 = tpu.memref_squeeze %dma_start3A_223 : memref<1x128x128xf32, #tpu.memory_space<vmem>> -> memref<128x128xf32, #tpu.memory_space<vmem>>
      %dma_start3A_225 = arith.constant 0 : i32
      %dma_start3A_226 = tpu.memref_slice %arg4[%mul3A_218, %dma_start3A_225] : memref<204800x128xf32, #tpu.memory_space<hbm>> -> memref<128x128xf32, #tpu.memory_space<hbm>>
      %dma_start3A_227 = tpu.memref_slice %arg8[%dma_start3A_220] : memref<5x!tpu.dma_semaphore, #tpu.memory_space<semaphore_mem>> -> memref<1x!tpu.dma_semaphore, #tpu.memory_space<semaphore_mem>>
      %dma_start3A_228 = tpu.memref_squeeze %dma_start3A_227 : memref<1x!tpu.dma_semaphore, #tpu.memory_space<semaphore_mem>> -> memref<!tpu.dma_semaphore, #tpu.memory_space<semaphore_mem>>
      %dma_start3A_229 = arith.constant 0 : i32
      %dma_start3A_230 = tpu.memref_slice %arg4[%mul3A_218, %dma_start3A_229] : memref<204800x128xf32, #tpu.memory_space<hbm>> -> memref<128x128xf32, #tpu.memory_space<hbm>>
      %dma_start3A_231 = arith.constant 0 : i32
      %dma_start3A_232 = arith.constant 0 : i32
      %dma_start3A_233 = tpu.memref_slice %arg6[%dma_start3A_219, %dma_start3A_231, %dma_start3A_232] : memref<5x128x128xf32, #tpu.memory_space<vmem>> -> memref<1x128x128xf32, #tpu.memory_space<vmem>>
      %dma_start3A_234 = tpu.memref_squeeze %dma_start3A_233 : memref<1x128x128xf32, #tpu.memory_space<vmem>> -> memref<128x128xf32, #tpu.memory_space<vmem>>
      tpu.enqueue_dma source(%dma_start3A_234 : memref<128x128xf32, #tpu.memory_space<vmem>>) target(%dma_start3A_230 : memref<128x128xf32, #tpu.memory_space<hbm>>) target_semaphore(%dma_start3A_228 : memref<!tpu.dma_semaphore, #tpu.memory_space<semaphore_mem>>)
      %dma_wait3A_235 = arith.constant 1 : i32
      %dma_wait3A_236 = arith.constant 1 : i32
      %dma_wait3A_237 = arith.constant 1 : i32
      %dma_wait3A_238 = arith.constant 0 : i32
      %dma_wait3A_239 = arith.constant 0 : i32
      %dma_wait3A_240 = tpu.memref_slice %arg6[%dma_wait3A_236, %dma_wait3A_238, %dma_wait3A_239] : memref<5x128x128xf32, #tpu.memory_space<vmem>> -> memref<1x128x128xf32, #tpu.memory_space<vmem>>
      %dma_wait3A_241 = tpu.memref_squeeze %dma_wait3A_240 : memref<1x128x128xf32, #tpu.memory_space<vmem>> -> memref<128x128xf32, #tpu.memory_space<vmem>>
      %dma_wait3A_242 = arith.constant 0 : i32
      %dma_wait3A_243 = tpu.memref_slice %arg5[%dma_wait3A_235, %dma_wait3A_242] : memref<5x128xi32, #tpu.memory_space<vmem>> -> memref<1x128xi32, #tpu.memory_space<vmem>>
      %dma_wait3A_244 = tpu.memref_squeeze %dma_wait3A_243 : memref<1x128xi32, #tpu.memory_space<vmem>> -> memref<128xi32, #tpu.memory_space<vmem>>
      %dma_wait3A_245 = arith.constant 0 : i32
      %dma_wait3A_246 = arith.constant 0 : i32
      %dma_wait3A_247 = tpu.memref_slice %arg2[%dma_wait3A_245, %dma_wait3A_246] : memref<100000x128xf32, #tpu.memory_space<hbm>> -> memref<100000x128xf32, #tpu.memory_space<hbm>>
      %dma_wait3A_248 = tpu.memref_slice %arg7[%dma_wait3A_237] : memref<5x!tpu.dma_semaphore, #tpu.memory_space<semaphore_mem>> -> memref<1x!tpu.dma_semaphore, #tpu.memory_space<semaphore_mem>>
      %dma_wait3A_249 = tpu.memref_squeeze %dma_wait3A_248 : memref<1x!tpu.dma_semaphore, #tpu.memory_space<semaphore_mem>> -> memref<!tpu.dma_semaphore, #tpu.memory_space<semaphore_mem>>
      tpu.wait_indirect_dma semaphore(%dma_wait3A_249 : memref<!tpu.dma_semaphore, #tpu.memory_space<semaphore_mem>>) src(%dma_wait3A_247 : memref<100000x128xf32, #tpu.memory_space<hbm>>) dst(%dma_wait3A_241 : memref<128x128xf32, #tpu.memory_space<vmem>>)
      %add3A_250 = arith.constant 1 : i32
      %add3A_251 = arith.addi %add3A_198, %add3A_250 : i32
      %add3A_252 = arith.addi %mul3A_2, %add3A_251 : i32
      %mul3A_253 = arith.constant 128 : i32
      %mul3A_254 = arith.muli %add3A_252, %mul3A_253 : i32
      %dma_start3A_255 = arith.constant 1 : i32
      %dma_start3A_256 = arith.constant 1 : i32
      %dma_start3A_257 = arith.constant 0 : i32
      %dma_start3A_258 = arith.constant 0 : i32
      %dma_start3A_259 = tpu.memref_slice %arg6[%dma_start3A_255, %dma_start3A_257, %dma_start3A_258] : memref<5x128x128xf32, #tpu.memory_space<vmem>> -> memref<1x128x128xf32, #tpu.memory_space<vmem>>
      %dma_start3A_260 = tpu.memref_squeeze %dma_start3A_259 : memref<1x128x128xf32, #tpu.memory_space<vmem>> -> memref<128x128xf32, #tpu.memory_space<vmem>>
      %dma_start3A_261 = arith.constant 0 : i32
      %dma_start3A_262 = tpu.memref_slice %arg4[%mul3A_254, %dma_start3A_261] : memref<204800x128xf32, #tpu.memory_space<hbm>> -> memref<128x128xf32, #tpu.memory_space<hbm>>
      %dma_start3A_263 = tpu.memref_slice %arg8[%dma_start3A_256] : memref<5x!tpu.dma_semaphore, #tpu.memory_space<semaphore_mem>> -> memref<1x!tpu.dma_semaphore, #tpu.memory_space<semaphore_mem>>
      %dma_start3A_264 = tpu.memref_squeeze %dma_start3A_263 : memref<1x!tpu.dma_semaphore, #tpu.memory_space<semaphore_mem>> -> memref<!tpu.dma_semaphore, #tpu.memory_space<semaphore_mem>>
      %dma_start3A_265 = arith.constant 0 : i32
      %dma_start3A_266 = tpu.memref_slice %arg4[%mul3A_254, %dma_start3A_265] : memref<204800x128xf32, #tpu.memory_space<hbm>> -> memref<128x128xf32, #tpu.memory_space<hbm>>
      %dma_start3A_267 = arith.constant 0 : i32
      %dma_start3A_268 = arith.constant 0 : i32
      %dma_start3A_269 = tpu.memref_slice %arg6[%dma_start3A_255, %dma_start3A_267, %dma_start3A_268] : memref<5x128x128xf32, #tpu.memory_space<vmem>> -> memref<1x128x128xf32, #tpu.memory_space<vmem>>
      %dma_start3A_270 = tpu.memref_squeeze %dma_start3A_269 : memref<1x128x128xf32, #tpu.memory_space<vmem>> -> memref<128x128xf32, #tpu.memory_space<vmem>>
      tpu.enqueue_dma source(%dma_start3A_270 : memref<128x128xf32, #tpu.memory_space<vmem>>) target(%dma_start3A_266 : memref<128x128xf32, #tpu.memory_space<hbm>>) target_semaphore(%dma_start3A_264 : memref<!tpu.dma_semaphore, #tpu.memory_space<semaphore_mem>>)
      %dma_wait3A_271 = arith.constant 2 : i32
      %dma_wait3A_272 = arith.constant 2 : i32
      %dma_wait3A_273 = arith.constant 2 : i32
      %dma_wait3A_274 = arith.constant 0 : i32
      %dma_wait3A_275 = arith.constant 0 : i32
      %dma_wait3A_276 = tpu.memref_slice %arg6[%dma_wait3A_272, %dma_wait3A_274, %dma_wait3A_275] : memref<5x128x128xf32, #tpu.memory_space<vmem>> -> memref<1x128x128xf32, #tpu.memory_space<vmem>>
      %dma_wait3A_277 = tpu.memref_squeeze %dma_wait3A_276 : memref<1x128x128xf32, #tpu.memory_space<vmem>> -> memref<128x128xf32, #tpu.memory_space<vmem>>
      %dma_wait3A_278 = arith.constant 0 : i32
      %dma_wait3A_279 = tpu.memref_slice %arg5[%dma_wait3A_271, %dma_wait3A_278] : memref<5x128xi32, #tpu.memory_space<vmem>> -> memref<1x128xi32, #tpu.memory_space<vmem>>
      %dma_wait3A_280 = tpu.memref_squeeze %dma_wait3A_279 : memref<1x128xi32, #tpu.memory_space<vmem>> -> memref<128xi32, #tpu.memory_space<vmem>>
      %dma_wait3A_281 = arith.constant 0 : i32
      %dma_wait3A_282 = arith.constant 0 : i32
      %dma_wait3A_283 = tpu.memref_slice %arg2[%dma_wait3A_281, %dma_wait3A_282] : memref<100000x128xf32, #tpu.memory_space<hbm>> -> memref<100000x128xf32, #tpu.memory_space<hbm>>
      %dma_wait3A_284 = tpu.memref_slice %arg7[%dma_wait3A_273] : memref<5x!tpu.dma_semaphore, #tpu.memory_space<semaphore_mem>> -> memref<1x!tpu.dma_semaphore, #tpu.memory_space<semaphore_mem>>
      %dma_wait3A_285 = tpu.memref_squeeze %dma_wait3A_284 : memref<1x!tpu.dma_semaphore, #tpu.memory_space<semaphore_mem>> -> memref<!tpu.dma_semaphore, #tpu.memory_space<semaphore_mem>>
      tpu.wait_indirect_dma semaphore(%dma_wait3A_285 : memref<!tpu.dma_semaphore, #tpu.memory_space<semaphore_mem>>) src(%dma_wait3A_283 : memref<100000x128xf32, #tpu.memory_space<hbm>>) dst(%dma_wait3A_277 : memref<128x128xf32, #tpu.memory_space<vmem>>)
      %add3A_286 = arith.constant 2 : i32
      %add3A_287 = arith.addi %add3A_198, %add3A_286 : i32
      %add3A_288 = arith.addi %mul3A_2, %add3A_287 : i32
      %mul3A_289 = arith.constant 128 : i32
      %mul3A_290 = arith.muli %add3A_288, %mul3A_289 : i32
      %dma_start3A_291 = arith.constant 2 : i32
      %dma_start3A_292 = arith.constant 2 : i32
      %dma_start3A_293 = arith.constant 0 : i32
      %dma_start3A_294 = arith.constant 0 : i32
      %dma_start3A_295 = tpu.memref_slice %arg6[%dma_start3A_291, %dma_start3A_293, %dma_start3A_294] : memref<5x128x128xf32, #tpu.memory_space<vmem>> -> memref<1x128x128xf32, #tpu.memory_space<vmem>>
      %dma_start3A_296 = tpu.memref_squeeze %dma_start3A_295 : memref<1x128x128xf32, #tpu.memory_space<vmem>> -> memref<128x128xf32, #tpu.memory_space<vmem>>
      %dma_start3A_297 = arith.constant 0 : i32
      %dma_start3A_298 = tpu.memref_slice %arg4[%mul3A_290, %dma_start3A_297] : memref<204800x128xf32, #tpu.memory_space<hbm>> -> memref<128x128xf32, #tpu.memory_space<hbm>>
      %dma_start3A_299 = tpu.memref_slice %arg8[%dma_start3A_292] : memref<5x!tpu.dma_semaphore, #tpu.memory_space<semaphore_mem>> -> memref<1x!tpu.dma_semaphore, #tpu.memory_space<semaphore_mem>>
      %dma_start3A_300 = tpu.memref_squeeze %dma_start3A_299 : memref<1x!tpu.dma_semaphore, #tpu.memory_space<semaphore_mem>> -> memref<!tpu.dma_semaphore, #tpu.memory_space<semaphore_mem>>
      %dma_start3A_301 = arith.constant 0 : i32
      %dma_start3A_302 = tpu.memref_slice %arg4[%mul3A_290, %dma_start3A_301] : memref<204800x128xf32, #tpu.memory_space<hbm>> -> memref<128x128xf32, #tpu.memory_space<hbm>>
      %dma_start3A_303 = arith.constant 0 : i32
      %dma_start3A_304 = arith.constant 0 : i32
      %dma_start3A_305 = tpu.memref_slice %arg6[%dma_start3A_291, %dma_start3A_303, %dma_start3A_304] : memref<5x128x128xf32, #tpu.memory_space<vmem>> -> memref<1x128x128xf32, #tpu.memory_space<vmem>>
      %dma_start3A_306 = tpu.memref_squeeze %dma_start3A_305 : memref<1x128x128xf32, #tpu.memory_space<vmem>> -> memref<128x128xf32, #tpu.memory_space<vmem>>
      tpu.enqueue_dma source(%dma_start3A_306 : memref<128x128xf32, #tpu.memory_space<vmem>>) target(%dma_start3A_302 : memref<128x128xf32, #tpu.memory_space<hbm>>) target_semaphore(%dma_start3A_300 : memref<!tpu.dma_semaphore, #tpu.memory_space<semaphore_mem>>)
      %dma_wait3A_307 = arith.constant 3 : i32
      %dma_wait3A_308 = arith.constant 3 : i32
      %dma_wait3A_309 = arith.constant 3 : i32
      %dma_wait3A_310 = arith.constant 0 : i32
      %dma_wait3A_311 = arith.constant 0 : i32
      %dma_wait3A_312 = tpu.memref_slice %arg6[%dma_wait3A_308, %dma_wait3A_310, %dma_wait3A_311] : memref<5x128x128xf32, #tpu.memory_space<vmem>> -> memref<1x128x128xf32, #tpu.memory_space<vmem>>
      %dma_wait3A_313 = tpu.memref_squeeze %dma_wait3A_312 : memref<1x128x128xf32, #tpu.memory_space<vmem>> -> memref<128x128xf32, #tpu.memory_space<vmem>>
      %dma_wait3A_314 = arith.constant 0 : i32
      %dma_wait3A_315 = tpu.memref_slice %arg5[%dma_wait3A_307, %dma_wait3A_314] : memref<5x128xi32, #tpu.memory_space<vmem>> -> memref<1x128xi32, #tpu.memory_space<vmem>>
      %dma_wait3A_316 = tpu.memref_squeeze %dma_wait3A_315 : memref<1x128xi32, #tpu.memory_space<vmem>> -> memref<128xi32, #tpu.memory_space<vmem>>
      %dma_wait3A_317 = arith.constant 0 : i32
      %dma_wait3A_318 = arith.constant 0 : i32
      %dma_wait3A_319 = tpu.memref_slice %arg2[%dma_wait3A_317, %dma_wait3A_318] : memref<100000x128xf32, #tpu.memory_space<hbm>> -> memref<100000x128xf32, #tpu.memory_space<hbm>>
      %dma_wait3A_320 = tpu.memref_slice %arg7[%dma_wait3A_309] : memref<5x!tpu.dma_semaphore, #tpu.memory_space<semaphore_mem>> -> memref<1x!tpu.dma_semaphore, #tpu.memory_space<semaphore_mem>>
      %dma_wait3A_321 = tpu.memref_squeeze %dma_wait3A_320 : memref<1x!tpu.dma_semaphore, #tpu.memory_space<semaphore_mem>> -> memref<!tpu.dma_semaphore, #tpu.memory_space<semaphore_mem>>
      tpu.wait_indirect_dma semaphore(%dma_wait3A_321 : memref<!tpu.dma_semaphore, #tpu.memory_space<semaphore_mem>>) src(%dma_wait3A_319 : memref<100000x128xf32, #tpu.memory_space<hbm>>) dst(%dma_wait3A_313 : memref<128x128xf32, #tpu.memory_space<vmem>>)
      %add3A_322 = arith.constant 3 : i32
      %add3A_323 = arith.addi %add3A_198, %add3A_322 : i32
      %add3A_324 = arith.addi %mul3A_2, %add3A_323 : i32
      %mul3A_325 = arith.constant 128 : i32
      %mul3A_326 = arith.muli %add3A_324, %mul3A_325 : i32
      %dma_start3A_327 = arith.constant 3 : i32
      %dma_start3A_328 = arith.constant 3 : i32
      %dma_start3A_329 = arith.constant 0 : i32
      %dma_start3A_330 = arith.constant 0 : i32
      %dma_start3A_331 = tpu.memref_slice %arg6[%dma_start3A_327, %dma_start3A_329, %dma_start3A_330] : memref<5x128x128xf32, #tpu.memory_space<vmem>> -> memref<1x128x128xf32, #tpu.memory_space<vmem>>
      %dma_start3A_332 = tpu.memref_squeeze %dma_start3A_331 : memref<1x128x128xf32, #tpu.memory_space<vmem>> -> memref<128x128xf32, #tpu.memory_space<vmem>>
      %dma_start3A_333 = arith.constant 0 : i32
      %dma_start3A_334 = tpu.memref_slice %arg4[%mul3A_326, %dma_start3A_333] : memref<204800x128xf32, #tpu.memory_space<hbm>> -> memref<128x128xf32, #tpu.memory_space<hbm>>
      %dma_start3A_335 = tpu.memref_slice %arg8[%dma_start3A_328] : memref<5x!tpu.dma_semaphore, #tpu.memory_space<semaphore_mem>> -> memref<1x!tpu.dma_semaphore, #tpu.memory_space<semaphore_mem>>
      %dma_start3A_336 = tpu.memref_squeeze %dma_start3A_335 : memref<1x!tpu.dma_semaphore, #tpu.memory_space<semaphore_mem>> -> memref<!tpu.dma_semaphore, #tpu.memory_space<semaphore_mem>>
      %dma_start3A_337 = arith.constant 0 : i32
      %dma_start3A_338 = tpu.memref_slice %arg4[%mul3A_326, %dma_start3A_337] : memref<204800x128xf32, #tpu.memory_space<hbm>> -> memref<128x128xf32, #tpu.memory_space<hbm>>
      %dma_start3A_339 = arith.constant 0 : i32
      %dma_start3A_340 = arith.constant 0 : i32
      %dma_start3A_341 = tpu.memref_slice %arg6[%dma_start3A_327, %dma_start3A_339, %dma_start3A_340] : memref<5x128x128xf32, #tpu.memory_space<vmem>> -> memref<1x128x128xf32, #tpu.memory_space<vmem>>
      %dma_start3A_342 = tpu.memref_squeeze %dma_start3A_341 : memref<1x128x128xf32, #tpu.memory_space<vmem>> -> memref<128x128xf32, #tpu.memory_space<vmem>>
      tpu.enqueue_dma source(%dma_start3A_342 : memref<128x128xf32, #tpu.memory_space<vmem>>) target(%dma_start3A_338 : memref<128x128xf32, #tpu.memory_space<hbm>>) target_semaphore(%dma_start3A_336 : memref<!tpu.dma_semaphore, #tpu.memory_space<semaphore_mem>>)
      %dma_wait3A_343 = arith.constant 4 : i32
      %dma_wait3A_344 = arith.constant 4 : i32
      %dma_wait3A_345 = arith.constant 4 : i32
      %dma_wait3A_346 = arith.constant 0 : i32
      %dma_wait3A_347 = arith.constant 0 : i32
      %dma_wait3A_348 = tpu.memref_slice %arg6[%dma_wait3A_344, %dma_wait3A_346, %dma_wait3A_347] : memref<5x128x128xf32, #tpu.memory_space<vmem>> -> memref<1x128x128xf32, #tpu.memory_space<vmem>>
      %dma_wait3A_349 = tpu.memref_squeeze %dma_wait3A_348 : memref<1x128x128xf32, #tpu.memory_space<vmem>> -> memref<128x128xf32, #tpu.memory_space<vmem>>
      %dma_wait3A_350 = arith.constant 0 : i32
      %dma_wait3A_351 = tpu.memref_slice %arg5[%dma_wait3A_343, %dma_wait3A_350] : memref<5x128xi32, #tpu.memory_space<vmem>> -> memref<1x128xi32, #tpu.memory_space<vmem>>
      %dma_wait3A_352 = tpu.memref_squeeze %dma_wait3A_351 : memref<1x128xi32, #tpu.memory_space<vmem>> -> memref<128xi32, #tpu.memory_space<vmem>>
      %dma_wait3A_353 = arith.constant 0 : i32
      %dma_wait3A_354 = arith.constant 0 : i32
      %dma_wait3A_355 = tpu.memref_slice %arg2[%dma_wait3A_353, %dma_wait3A_354] : memref<100000x128xf32, #tpu.memory_space<hbm>> -> memref<100000x128xf32, #tpu.memory_space<hbm>>
      %dma_wait3A_356 = tpu.memref_slice %arg7[%dma_wait3A_345] : memref<5x!tpu.dma_semaphore, #tpu.memory_space<semaphore_mem>> -> memref<1x!tpu.dma_semaphore, #tpu.memory_space<semaphore_mem>>
      %dma_wait3A_357 = tpu.memref_squeeze %dma_wait3A_356 : memref<1x!tpu.dma_semaphore, #tpu.memory_space<semaphore_mem>> -> memref<!tpu.dma_semaphore, #tpu.memory_space<semaphore_mem>>
      tpu.wait_indirect_dma semaphore(%dma_wait3A_357 : memref<!tpu.dma_semaphore, #tpu.memory_space<semaphore_mem>>) src(%dma_wait3A_355 : memref<100000x128xf32, #tpu.memory_space<hbm>>) dst(%dma_wait3A_349 : memref<128x128xf32, #tpu.memory_space<vmem>>)
      %add3A_358 = arith.constant 4 : i32
      %add3A_359 = arith.addi %add3A_198, %add3A_358 : i32
      %add3A_360 = arith.addi %mul3A_2, %add3A_359 : i32
      %mul3A_361 = arith.constant 128 : i32
      %mul3A_362 = arith.muli %add3A_360, %mul3A_361 : i32
      %dma_start3A_363 = arith.constant 4 : i32
      %dma_start3A_364 = arith.constant 4 : i32
      %dma_start3A_365 = arith.constant 0 : i32
      %dma_start3A_366 = arith.constant 0 : i32
      %dma_start3A_367 = tpu.memref_slice %arg6[%dma_start3A_363, %dma_start3A_365, %dma_start3A_366] : memref<5x128x128xf32, #tpu.memory_space<vmem>> -> memref<1x128x128xf32, #tpu.memory_space<vmem>>
      %dma_start3A_368 = tpu.memref_squeeze %dma_start3A_367 : memref<1x128x128xf32, #tpu.memory_space<vmem>> -> memref<128x128xf32, #tpu.memory_space<vmem>>
      %dma_start3A_369 = arith.constant 0 : i32
      %dma_start3A_370 = tpu.memref_slice %arg4[%mul3A_362, %dma_start3A_369] : memref<204800x128xf32, #tpu.memory_space<hbm>> -> memref<128x128xf32, #tpu.memory_space<hbm>>
      %dma_start3A_371 = tpu.memref_slice %arg8[%dma_start3A_364] : memref<5x!tpu.dma_semaphore, #tpu.memory_space<semaphore_mem>> -> memref<1x!tpu.dma_semaphore, #tpu.memory_space<semaphore_mem>>
      %dma_start3A_372 = tpu.memref_squeeze %dma_start3A_371 : memref<1x!tpu.dma_semaphore, #tpu.memory_space<semaphore_mem>> -> memref<!tpu.dma_semaphore, #tpu.memory_space<semaphore_mem>>
      %dma_start3A_373 = arith.constant 0 : i32
      %dma_start3A_374 = tpu.memref_slice %arg4[%mul3A_362, %dma_start3A_373] : memref<204800x128xf32, #tpu.memory_space<hbm>> -> memref<128x128xf32, #tpu.memory_space<hbm>>
      %dma_start3A_375 = arith.constant 0 : i32
      %dma_start3A_376 = arith.constant 0 : i32
      %dma_start3A_377 = tpu.memref_slice %arg6[%dma_start3A_363, %dma_start3A_375, %dma_start3A_376] : memref<5x128x128xf32, #tpu.memory_space<vmem>> -> memref<1x128x128xf32, #tpu.memory_space<vmem>>
      %dma_start3A_378 = tpu.memref_squeeze %dma_start3A_377 : memref<1x128x128xf32, #tpu.memory_space<vmem>> -> memref<128x128xf32, #tpu.memory_space<vmem>>
      tpu.enqueue_dma source(%dma_start3A_378 : memref<128x128xf32, #tpu.memory_space<vmem>>) target(%dma_start3A_374 : memref<128x128xf32, #tpu.memory_space<hbm>>) target_semaphore(%dma_start3A_372 : memref<!tpu.dma_semaphore, #tpu.memory_space<semaphore_mem>>)
      %add3A_379 = arith.constant 5 : i32
      %add3A_380 = arith.addi %add3A_198, %add3A_379 : i32
      %add3A_381 = arith.constant 0 : i32
      %add3A_382 = arith.addi %add3A_380, %add3A_381 : i32
      %lt3A = arith.constant 50 : i32
      %lt3A_383 = arith.cmpi slt, %add3A_382, %lt3A : i32
      %convert_element_type3A = arith.extui %lt3A_383 : i1 to i32
      %cond3A = arith.constant 0 : i32
      %cond3A_384 = arith.cmpi ne, %convert_element_type3A, %cond3A : i32
      scf.if %cond3A_384 {
        %add3A_421 = arith.constant 0 : i32
        %add3A_422 = arith.addi %add3A_198, %add3A_421 : i32
        %add3A_423 = arith.addi %mul3A_2, %add3A_422 : i32
        %mul3A_424 = arith.constant 128 : i32
        %mul3A_425 = arith.muli %add3A_423, %mul3A_424 : i32
        %dma_wait3A_426 = arith.constant 0 : i32
        %dma_wait3A_427 = arith.constant 0 : i32
        %dma_wait3A_428 = arith.constant 0 : i32
        %dma_wait3A_429 = arith.constant 0 : i32
        %dma_wait3A_430 = tpu.memref_slice %arg6[%dma_wait3A_426, %dma_wait3A_428, %dma_wait3A_429] : memref<5x128x128xf32, #tpu.memory_space<vmem>> -> memref<1x128x128xf32, #tpu.memory_space<vmem>>
        %dma_wait3A_431 = tpu.memref_squeeze %dma_wait3A_430 : memref<1x128x128xf32, #tpu.memory_space<vmem>> -> memref<128x128xf32, #tpu.memory_space<vmem>>
        %dma_wait3A_432 = arith.constant 0 : i32
        %dma_wait3A_433 = tpu.memref_slice %arg4[%mul3A_425, %dma_wait3A_432] : memref<204800x128xf32, #tpu.memory_space<hbm>> -> memref<128x128xf32, #tpu.memory_space<hbm>>
        %dma_wait3A_434 = tpu.memref_slice %arg8[%dma_wait3A_427] : memref<5x!tpu.dma_semaphore, #tpu.memory_space<semaphore_mem>> -> memref<1x!tpu.dma_semaphore, #tpu.memory_space<semaphore_mem>>
        %dma_wait3A_435 = tpu.memref_squeeze %dma_wait3A_434 : memref<1x!tpu.dma_semaphore, #tpu.memory_space<semaphore_mem>> -> memref<!tpu.dma_semaphore, #tpu.memory_space<semaphore_mem>>
        %dma_wait3A_436 = arith.constant 0 : i32
        %dma_wait3A_437 = tpu.memref_slice %arg4[%mul3A_425, %dma_wait3A_436] : memref<204800x128xf32, #tpu.memory_space<hbm>> -> memref<128x128xf32, #tpu.memory_space<hbm>>
        %dma_wait3A_438 = arith.constant 0 : i32
        %dma_wait3A_439 = arith.constant 0 : i32
        %dma_wait3A_440 = tpu.memref_slice %arg6[%dma_wait3A_426, %dma_wait3A_438, %dma_wait3A_439] : memref<5x128x128xf32, #tpu.memory_space<vmem>> -> memref<1x128x128xf32, #tpu.memory_space<vmem>>
        %dma_wait3A_441 = tpu.memref_squeeze %dma_wait3A_440 : memref<1x128x128xf32, #tpu.memory_space<vmem>> -> memref<128x128xf32, #tpu.memory_space<vmem>>
        tpu.wait_dma2 semaphore(%dma_wait3A_435 : memref<!tpu.dma_semaphore, #tpu.memory_space<semaphore_mem>>) src(%dma_wait3A_441 : memref<128x128xf32, #tpu.memory_space<vmem>>) dst(%dma_wait3A_437 : memref<128x128xf32, #tpu.memory_space<hbm>>)
        %add3A_442 = arith.addi %mul3A_2, %add3A_382 : i32
        %run_scoped3A_443 = arith.constant 0 : i32
        "tpu.region"() ({
          %run_scoped3A_459 = tpu.sem_alloc : memref<!tpu.dma_semaphore, #tpu.memory_space<semaphore_mem>>
          %dma_start3A_460 = arith.constant 0 : i32
          %dma_start3A_461 = tpu.memref_slice %arg5[%run_scoped3A_443, %dma_start3A_460] : memref<5x128xi32, #tpu.memory_space<vmem>> -> memref<1x128xi32, #tpu.memory_space<vmem>>
          %dma_start3A_462 = tpu.memref_squeeze %dma_start3A_461 : memref<1x128xi32, #tpu.memory_space<vmem>> -> memref<128xi32, #tpu.memory_space<vmem>>
          %dma_start3A_463 = arith.constant 0 : i32
          %dma_start3A_464 = tpu.memref_slice %arg3[%add3A_442, %dma_start3A_463] : memref<1600x128xi32, #tpu.memory_space<hbm>> -> memref<1x128xi32, #tpu.memory_space<hbm>>
          %dma_start3A_465 = tpu.memref_squeeze %dma_start3A_464 : memref<1x128xi32, #tpu.memory_space<hbm>> -> memref<128xi32, #tpu.memory_space<hbm>>
          %dma_start3A_466 = arith.constant 0 : i32
          %dma_start3A_467 = tpu.memref_slice %arg5[%run_scoped3A_443, %dma_start3A_466] : memref<5x128xi32, #tpu.memory_space<vmem>> -> memref<1x128xi32, #tpu.memory_space<vmem>>
          %dma_start3A_468 = tpu.memref_squeeze %dma_start3A_467 : memref<1x128xi32, #tpu.memory_space<vmem>> -> memref<128xi32, #tpu.memory_space<vmem>>
          %dma_start3A_469 = arith.constant 0 : i32
          %dma_start3A_470 = tpu.memref_slice %arg3[%add3A_442, %dma_start3A_469] : memref<1600x128xi32, #tpu.memory_space<hbm>> -> memref<1x128xi32, #tpu.memory_space<hbm>>
          %dma_start3A_471 = tpu.memref_squeeze %dma_start3A_470 : memref<1x128xi32, #tpu.memory_space<hbm>> -> memref<128xi32, #tpu.memory_space<hbm>>
          tpu.enqueue_dma source(%dma_start3A_471 : memref<128xi32, #tpu.memory_space<hbm>>) target(%dma_start3A_468 : memref<128xi32, #tpu.memory_space<vmem>>) target_semaphore(%run_scoped3A_459 : memref<!tpu.dma_semaphore, #tpu.memory_space<semaphore_mem>>)
          %dma_wait3A_472 = arith.constant 0 : i32
          %dma_wait3A_473 = tpu.memref_slice %arg5[%run_scoped3A_443, %dma_wait3A_472] : memref<5x128xi32, #tpu.memory_space<vmem>> -> memref<1x128xi32, #tpu.memory_space<vmem>>
          %dma_wait3A_474 = tpu.memref_squeeze %dma_wait3A_473 : memref<1x128xi32, #tpu.memory_space<vmem>> -> memref<128xi32, #tpu.memory_space<vmem>>
          %dma_wait3A_475 = arith.constant 0 : i32
          %dma_wait3A_476 = tpu.memref_slice %arg3[%add3A_442, %dma_wait3A_475] : memref<1600x128xi32, #tpu.memory_space<hbm>> -> memref<1x128xi32, #tpu.memory_space<hbm>>
          %dma_wait3A_477 = tpu.memref_squeeze %dma_wait3A_476 : memref<1x128xi32, #tpu.memory_space<hbm>> -> memref<128xi32, #tpu.memory_space<hbm>>
          %dma_wait3A_478 = arith.constant 0 : i32
          %dma_wait3A_479 = tpu.memref_slice %arg5[%run_scoped3A_443, %dma_wait3A_478] : memref<5x128xi32, #tpu.memory_space<vmem>> -> memref<1x128xi32, #tpu.memory_space<vmem>>
          %dma_wait3A_480 = tpu.memref_squeeze %dma_wait3A_479 : memref<1x128xi32, #tpu.memory_space<vmem>> -> memref<128xi32, #tpu.memory_space<vmem>>
          %dma_wait3A_481 = arith.constant 0 : i32
          %dma_wait3A_482 = tpu.memref_slice %arg3[%add3A_442, %dma_wait3A_481] : memref<1600x128xi32, #tpu.memory_space<hbm>> -> memref<1x128xi32, #tpu.memory_space<hbm>>
          %dma_wait3A_483 = tpu.memref_squeeze %dma_wait3A_482 : memref<1x128xi32, #tpu.memory_space<hbm>> -> memref<128xi32, #tpu.memory_space<hbm>>
          tpu.wait_dma2 semaphore(%run_scoped3A_459 : memref<!tpu.dma_semaphore, #tpu.memory_space<semaphore_mem>>) src(%dma_wait3A_483 : memref<128xi32, #tpu.memory_space<hbm>>) dst(%dma_wait3A_480 : memref<128xi32, #tpu.memory_space<vmem>>)
          tpu.yield
        }) : () -> ()
        %dma_start3A_444 = arith.constant 0 : i32
        %dma_start3A_445 = arith.constant 0 : i32
        %dma_start3A_446 = arith.constant 0 : i32
        %dma_start3A_447 = arith.constant 0 : i32
        %dma_start3A_448 = arith.constant 0 : i32
        %dma_start3A_449 = tpu.memref_slice %arg6[%dma_start3A_445, %dma_start3A_447, %dma_start3A_448] : memref<5x128x128xf32, #tpu.memory_space<vmem>> -> memref<1x128x128xf32, #tpu.memory_space<vmem>>
        %dma_start3A_450 = tpu.memref_squeeze %dma_start3A_449 : memref<1x128x128xf32, #tpu.memory_space<vmem>> -> memref<128x128xf32, #tpu.memory_space<vmem>>
        %dma_start3A_451 = arith.constant 0 : i32
        %dma_start3A_452 = tpu.memref_slice %arg5[%dma_start3A_444, %dma_start3A_451] : memref<5x128xi32, #tpu.memory_space<vmem>> -> memref<1x128xi32, #tpu.memory_space<vmem>>
        %dma_start3A_453 = tpu.memref_squeeze %dma_start3A_452 : memref<1x128xi32, #tpu.memory_space<vmem>> -> memref<128xi32, #tpu.memory_space<vmem>>
        %dma_start3A_454 = arith.constant 0 : i32
        %dma_start3A_455 = arith.constant 0 : i32
        %dma_start3A_456 = tpu.memref_slice %arg2[%dma_start3A_454, %dma_start3A_455] : memref<100000x128xf32, #tpu.memory_space<hbm>> -> memref<100000x128xf32, #tpu.memory_space<hbm>>
        %dma_start3A_457 = tpu.memref_slice %arg7[%dma_start3A_446] : memref<5x!tpu.dma_semaphore, #tpu.memory_space<semaphore_mem>> -> memref<1x!tpu.dma_semaphore, #tpu.memory_space<semaphore_mem>>
        %dma_start3A_458 = tpu.memref_squeeze %dma_start3A_457 : memref<1x!tpu.dma_semaphore, #tpu.memory_space<semaphore_mem>> -> memref<!tpu.dma_semaphore, #tpu.memory_space<semaphore_mem>>
        tpu.enqueue_indirect_dma source(%dma_start3A_456 : memref<100000x128xf32, #tpu.memory_space<hbm>>) target(%dma_start3A_450 : memref<128x128xf32, #tpu.memory_space<vmem>>) offsets(%dma_start3A_453 : memref<128xi32, #tpu.memory_space<vmem>>) semaphore(%dma_start3A_458 : memref<!tpu.dma_semaphore, #tpu.memory_space<semaphore_mem>>)
      } else {
      }
      %add3A_385 = arith.constant 5 : i32
      %add3A_386 = arith.addi %add3A_198, %add3A_385 : i32
      %add3A_387 = arith.constant 1 : i32
      %add3A_388 = arith.addi %add3A_386, %add3A_387 : i32
      %lt3A_389 = arith.constant 50 : i32
      %lt3A_390 = arith.cmpi slt, %add3A_388, %lt3A_389 : i32
      %convert_element_type3A_391 = arith.extui %lt3A_390 : i1 to i32
      %cond3A_392 = arith.constant 0 : i32
      %cond3A_393 = arith.cmpi ne, %convert_element_type3A_391, %cond3A_392 : i32
      scf.if %cond3A_393 {
        %add3A_421 = arith.constant 1 : i32
        %add3A_422 = arith.addi %add3A_198, %add3A_421 : i32
        %add3A_423 = arith.addi %mul3A_2, %add3A_422 : i32
        %mul3A_424 = arith.constant 128 : i32
        %mul3A_425 = arith.muli %add3A_423, %mul3A_424 : i32
        %dma_wait3A_426 = arith.constant 1 : i32
        %dma_wait3A_427 = arith.constant 1 : i32
        %dma_wait3A_428 = arith.constant 0 : i32
        %dma_wait3A_429 = arith.constant 0 : i32
        %dma_wait3A_430 = tpu.memref_slice %arg6[%dma_wait3A_426, %dma_wait3A_428, %dma_wait3A_429] : memref<5x128x128xf32, #tpu.memory_space<vmem>> -> memref<1x128x128xf32, #tpu.memory_space<vmem>>
        %dma_wait3A_431 = tpu.memref_squeeze %dma_wait3A_430 : memref<1x128x128xf32, #tpu.memory_space<vmem>> -> memref<128x128xf32, #tpu.memory_space<vmem>>
        %dma_wait3A_432 = arith.constant 0 : i32
        %dma_wait3A_433 = tpu.memref_slice %arg4[%mul3A_425, %dma_wait3A_432] : memref<204800x128xf32, #tpu.memory_space<hbm>> -> memref<128x128xf32, #tpu.memory_space<hbm>>
        %dma_wait3A_434 = tpu.memref_slice %arg8[%dma_wait3A_427] : memref<5x!tpu.dma_semaphore, #tpu.memory_space<semaphore_mem>> -> memref<1x!tpu.dma_semaphore, #tpu.memory_space<semaphore_mem>>
        %dma_wait3A_435 = tpu.memref_squeeze %dma_wait3A_434 : memref<1x!tpu.dma_semaphore, #tpu.memory_space<semaphore_mem>> -> memref<!tpu.dma_semaphore, #tpu.memory_space<semaphore_mem>>
        %dma_wait3A_436 = arith.constant 0 : i32
        %dma_wait3A_437 = tpu.memref_slice %arg4[%mul3A_425, %dma_wait3A_436] : memref<204800x128xf32, #tpu.memory_space<hbm>> -> memref<128x128xf32, #tpu.memory_space<hbm>>
        %dma_wait3A_438 = arith.constant 0 : i32
        %dma_wait3A_439 = arith.constant 0 : i32
        %dma_wait3A_440 = tpu.memref_slice %arg6[%dma_wait3A_426, %dma_wait3A_438, %dma_wait3A_439] : memref<5x128x128xf32, #tpu.memory_space<vmem>> -> memref<1x128x128xf32, #tpu.memory_space<vmem>>
        %dma_wait3A_441 = tpu.memref_squeeze %dma_wait3A_440 : memref<1x128x128xf32, #tpu.memory_space<vmem>> -> memref<128x128xf32, #tpu.memory_space<vmem>>
        tpu.wait_dma2 semaphore(%dma_wait3A_435 : memref<!tpu.dma_semaphore, #tpu.memory_space<semaphore_mem>>) src(%dma_wait3A_441 : memref<128x128xf32, #tpu.memory_space<vmem>>) dst(%dma_wait3A_437 : memref<128x128xf32, #tpu.memory_space<hbm>>)
        %add3A_442 = arith.addi %mul3A_2, %add3A_388 : i32
        %run_scoped3A_443 = arith.constant 1 : i32
        "tpu.region"() ({
          %run_scoped3A_459 = tpu.sem_alloc : memref<!tpu.dma_semaphore, #tpu.memory_space<semaphore_mem>>
          %dma_start3A_460 = arith.constant 0 : i32
          %dma_start3A_461 = tpu.memref_slice %arg5[%run_scoped3A_443, %dma_start3A_460] : memref<5x128xi32, #tpu.memory_space<vmem>> -> memref<1x128xi32, #tpu.memory_space<vmem>>
          %dma_start3A_462 = tpu.memref_squeeze %dma_start3A_461 : memref<1x128xi32, #tpu.memory_space<vmem>> -> memref<128xi32, #tpu.memory_space<vmem>>
          %dma_start3A_463 = arith.constant 0 : i32
          %dma_start3A_464 = tpu.memref_slice %arg3[%add3A_442, %dma_start3A_463] : memref<1600x128xi32, #tpu.memory_space<hbm>> -> memref<1x128xi32, #tpu.memory_space<hbm>>
          %dma_start3A_465 = tpu.memref_squeeze %dma_start3A_464 : memref<1x128xi32, #tpu.memory_space<hbm>> -> memref<128xi32, #tpu.memory_space<hbm>>
          %dma_start3A_466 = arith.constant 0 : i32
          %dma_start3A_467 = tpu.memref_slice %arg5[%run_scoped3A_443, %dma_start3A_466] : memref<5x128xi32, #tpu.memory_space<vmem>> -> memref<1x128xi32, #tpu.memory_space<vmem>>
          %dma_start3A_468 = tpu.memref_squeeze %dma_start3A_467 : memref<1x128xi32, #tpu.memory_space<vmem>> -> memref<128xi32, #tpu.memory_space<vmem>>
          %dma_start3A_469 = arith.constant 0 : i32
          %dma_start3A_470 = tpu.memref_slice %arg3[%add3A_442, %dma_start3A_469] : memref<1600x128xi32, #tpu.memory_space<hbm>> -> memref<1x128xi32, #tpu.memory_space<hbm>>
          %dma_start3A_471 = tpu.memref_squeeze %dma_start3A_470 : memref<1x128xi32, #tpu.memory_space<hbm>> -> memref<128xi32, #tpu.memory_space<hbm>>
          tpu.enqueue_dma source(%dma_start3A_471 : memref<128xi32, #tpu.memory_space<hbm>>) target(%dma_start3A_468 : memref<128xi32, #tpu.memory_space<vmem>>) target_semaphore(%run_scoped3A_459 : memref<!tpu.dma_semaphore, #tpu.memory_space<semaphore_mem>>)
          %dma_wait3A_472 = arith.constant 0 : i32
          %dma_wait3A_473 = tpu.memref_slice %arg5[%run_scoped3A_443, %dma_wait3A_472] : memref<5x128xi32, #tpu.memory_space<vmem>> -> memref<1x128xi32, #tpu.memory_space<vmem>>
          %dma_wait3A_474 = tpu.memref_squeeze %dma_wait3A_473 : memref<1x128xi32, #tpu.memory_space<vmem>> -> memref<128xi32, #tpu.memory_space<vmem>>
          %dma_wait3A_475 = arith.constant 0 : i32
          %dma_wait3A_476 = tpu.memref_slice %arg3[%add3A_442, %dma_wait3A_475] : memref<1600x128xi32, #tpu.memory_space<hbm>> -> memref<1x128xi32, #tpu.memory_space<hbm>>
          %dma_wait3A_477 = tpu.memref_squeeze %dma_wait3A_476 : memref<1x128xi32, #tpu.memory_space<hbm>> -> memref<128xi32, #tpu.memory_space<hbm>>
          %dma_wait3A_478 = arith.constant 0 : i32
          %dma_wait3A_479 = tpu.memref_slice %arg5[%run_scoped3A_443, %dma_wait3A_478] : memref<5x128xi32, #tpu.memory_space<vmem>> -> memref<1x128xi32, #tpu.memory_space<vmem>>
          %dma_wait3A_480 = tpu.memref_squeeze %dma_wait3A_479 : memref<1x128xi32, #tpu.memory_space<vmem>> -> memref<128xi32, #tpu.memory_space<vmem>>
          %dma_wait3A_481 = arith.constant 0 : i32
          %dma_wait3A_482 = tpu.memref_slice %arg3[%add3A_442, %dma_wait3A_481] : memref<1600x128xi32, #tpu.memory_space<hbm>> -> memref<1x128xi32, #tpu.memory_space<hbm>>
          %dma_wait3A_483 = tpu.memref_squeeze %dma_wait3A_482 : memref<1x128xi32, #tpu.memory_space<hbm>> -> memref<128xi32, #tpu.memory_space<hbm>>
          tpu.wait_dma2 semaphore(%run_scoped3A_459 : memref<!tpu.dma_semaphore, #tpu.memory_space<semaphore_mem>>) src(%dma_wait3A_483 : memref<128xi32, #tpu.memory_space<hbm>>) dst(%dma_wait3A_480 : memref<128xi32, #tpu.memory_space<vmem>>)
          tpu.yield
        }) : () -> ()
        %dma_start3A_444 = arith.constant 1 : i32
        %dma_start3A_445 = arith.constant 1 : i32
        %dma_start3A_446 = arith.constant 1 : i32
        %dma_start3A_447 = arith.constant 0 : i32
        %dma_start3A_448 = arith.constant 0 : i32
        %dma_start3A_449 = tpu.memref_slice %arg6[%dma_start3A_445, %dma_start3A_447, %dma_start3A_448] : memref<5x128x128xf32, #tpu.memory_space<vmem>> -> memref<1x128x128xf32, #tpu.memory_space<vmem>>
        %dma_start3A_450 = tpu.memref_squeeze %dma_start3A_449 : memref<1x128x128xf32, #tpu.memory_space<vmem>> -> memref<128x128xf32, #tpu.memory_space<vmem>>
        %dma_start3A_451 = arith.constant 0 : i32
        %dma_start3A_452 = tpu.memref_slice %arg5[%dma_start3A_444, %dma_start3A_451] : memref<5x128xi32, #tpu.memory_space<vmem>> -> memref<1x128xi32, #tpu.memory_space<vmem>>
        %dma_start3A_453 = tpu.memref_squeeze %dma_start3A_452 : memref<1x128xi32, #tpu.memory_space<vmem>> -> memref<128xi32, #tpu.memory_space<vmem>>
        %dma_start3A_454 = arith.constant 0 : i32
        %dma_start3A_455 = arith.constant 0 : i32
        %dma_start3A_456 = tpu.memref_slice %arg2[%dma_start3A_454, %dma_start3A_455] : memref<100000x128xf32, #tpu.memory_space<hbm>> -> memref<100000x128xf32, #tpu.memory_space<hbm>>
        %dma_start3A_457 = tpu.memref_slice %arg7[%dma_start3A_446] : memref<5x!tpu.dma_semaphore, #tpu.memory_space<semaphore_mem>> -> memref<1x!tpu.dma_semaphore, #tpu.memory_space<semaphore_mem>>
        %dma_start3A_458 = tpu.memref_squeeze %dma_start3A_457 : memref<1x!tpu.dma_semaphore, #tpu.memory_space<semaphore_mem>> -> memref<!tpu.dma_semaphore, #tpu.memory_space<semaphore_mem>>
        tpu.enqueue_indirect_dma source(%dma_start3A_456 : memref<100000x128xf32, #tpu.memory_space<hbm>>) target(%dma_start3A_450 : memref<128x128xf32, #tpu.memory_space<vmem>>) offsets(%dma_start3A_453 : memref<128xi32, #tpu.memory_space<vmem>>) semaphore(%dma_start3A_458 : memref<!tpu.dma_semaphore, #tpu.memory_space<semaphore_mem>>)
      } else {
      }
      %add3A_394 = arith.constant 5 : i32
      %add3A_395 = arith.addi %add3A_198, %add3A_394 : i32
      %add3A_396 = arith.constant 2 : i32
      %add3A_397 = arith.addi %add3A_395, %add3A_396 : i32
      %lt3A_398 = arith.constant 50 : i32
      %lt3A_399 = arith.cmpi slt, %add3A_397, %lt3A_398 : i32
      %convert_element_type3A_400 = arith.extui %lt3A_399 : i1 to i32
      %cond3A_401 = arith.constant 0 : i32
      %cond3A_402 = arith.cmpi ne, %convert_element_type3A_400, %cond3A_401 : i32
      scf.if %cond3A_402 {
        %add3A_421 = arith.constant 2 : i32
        %add3A_422 = arith.addi %add3A_198, %add3A_421 : i32
        %add3A_423 = arith.addi %mul3A_2, %add3A_422 : i32
        %mul3A_424 = arith.constant 128 : i32
        %mul3A_425 = arith.muli %add3A_423, %mul3A_424 : i32
        %dma_wait3A_426 = arith.constant 2 : i32
        %dma_wait3A_427 = arith.constant 2 : i32
        %dma_wait3A_428 = arith.constant 0 : i32
        %dma_wait3A_429 = arith.constant 0 : i32
        %dma_wait3A_430 = tpu.memref_slice %arg6[%dma_wait3A_426, %dma_wait3A_428, %dma_wait3A_429] : memref<5x128x128xf32, #tpu.memory_space<vmem>> -> memref<1x128x128xf32, #tpu.memory_space<vmem>>
        %dma_wait3A_431 = tpu.memref_squeeze %dma_wait3A_430 : memref<1x128x128xf32, #tpu.memory_space<vmem>> -> memref<128x128xf32, #tpu.memory_space<vmem>>
        %dma_wait3A_432 = arith.constant 0 : i32
        %dma_wait3A_433 = tpu.memref_slice %arg4[%mul3A_425, %dma_wait3A_432] : memref<204800x128xf32, #tpu.memory_space<hbm>> -> memref<128x128xf32, #tpu.memory_space<hbm>>
        %dma_wait3A_434 = tpu.memref_slice %arg8[%dma_wait3A_427] : memref<5x!tpu.dma_semaphore, #tpu.memory_space<semaphore_mem>> -> memref<1x!tpu.dma_semaphore, #tpu.memory_space<semaphore_mem>>
        %dma_wait3A_435 = tpu.memref_squeeze %dma_wait3A_434 : memref<1x!tpu.dma_semaphore, #tpu.memory_space<semaphore_mem>> -> memref<!tpu.dma_semaphore, #tpu.memory_space<semaphore_mem>>
        %dma_wait3A_436 = arith.constant 0 : i32
        %dma_wait3A_437 = tpu.memref_slice %arg4[%mul3A_425, %dma_wait3A_436] : memref<204800x128xf32, #tpu.memory_space<hbm>> -> memref<128x128xf32, #tpu.memory_space<hbm>>
        %dma_wait3A_438 = arith.constant 0 : i32
        %dma_wait3A_439 = arith.constant 0 : i32
        %dma_wait3A_440 = tpu.memref_slice %arg6[%dma_wait3A_426, %dma_wait3A_438, %dma_wait3A_439] : memref<5x128x128xf32, #tpu.memory_space<vmem>> -> memref<1x128x128xf32, #tpu.memory_space<vmem>>
        %dma_wait3A_441 = tpu.memref_squeeze %dma_wait3A_440 : memref<1x128x128xf32, #tpu.memory_space<vmem>> -> memref<128x128xf32, #tpu.memory_space<vmem>>
        tpu.wait_dma2 semaphore(%dma_wait3A_435 : memref<!tpu.dma_semaphore, #tpu.memory_space<semaphore_mem>>) src(%dma_wait3A_441 : memref<128x128xf32, #tpu.memory_space<vmem>>) dst(%dma_wait3A_437 : memref<128x128xf32, #tpu.memory_space<hbm>>)
        %add3A_442 = arith.addi %mul3A_2, %add3A_397 : i32
        %run_scoped3A_443 = arith.constant 2 : i32
        "tpu.region"() ({
          %run_scoped3A_459 = tpu.sem_alloc : memref<!tpu.dma_semaphore, #tpu.memory_space<semaphore_mem>>
          %dma_start3A_460 = arith.constant 0 : i32
          %dma_start3A_461 = tpu.memref_slice %arg5[%run_scoped3A_443, %dma_start3A_460] : memref<5x128xi32, #tpu.memory_space<vmem>> -> memref<1x128xi32, #tpu.memory_space<vmem>>
          %dma_start3A_462 = tpu.memref_squeeze %dma_start3A_461 : memref<1x128xi32, #tpu.memory_space<vmem>> -> memref<128xi32, #tpu.memory_space<vmem>>
          %dma_start3A_463 = arith.constant 0 : i32
          %dma_start3A_464 = tpu.memref_slice %arg3[%add3A_442, %dma_start3A_463] : memref<1600x128xi32, #tpu.memory_space<hbm>> -> memref<1x128xi32, #tpu.memory_space<hbm>>
          %dma_start3A_465 = tpu.memref_squeeze %dma_start3A_464 : memref<1x128xi32, #tpu.memory_space<hbm>> -> memref<128xi32, #tpu.memory_space<hbm>>
          %dma_start3A_466 = arith.constant 0 : i32
          %dma_start3A_467 = tpu.memref_slice %arg5[%run_scoped3A_443, %dma_start3A_466] : memref<5x128xi32, #tpu.memory_space<vmem>> -> memref<1x128xi32, #tpu.memory_space<vmem>>
          %dma_start3A_468 = tpu.memref_squeeze %dma_start3A_467 : memref<1x128xi32, #tpu.memory_space<vmem>> -> memref<128xi32, #tpu.memory_space<vmem>>
          %dma_start3A_469 = arith.constant 0 : i32
          %dma_start3A_470 = tpu.memref_slice %arg3[%add3A_442, %dma_start3A_469] : memref<1600x128xi32, #tpu.memory_space<hbm>> -> memref<1x128xi32, #tpu.memory_space<hbm>>
          %dma_start3A_471 = tpu.memref_squeeze %dma_start3A_470 : memref<1x128xi32, #tpu.memory_space<hbm>> -> memref<128xi32, #tpu.memory_space<hbm>>
          tpu.enqueue_dma source(%dma_start3A_471 : memref<128xi32, #tpu.memory_space<hbm>>) target(%dma_start3A_468 : memref<128xi32, #tpu.memory_space<vmem>>) target_semaphore(%run_scoped3A_459 : memref<!tpu.dma_semaphore, #tpu.memory_space<semaphore_mem>>)
          %dma_wait3A_472 = arith.constant 0 : i32
          %dma_wait3A_473 = tpu.memref_slice %arg5[%run_scoped3A_443, %dma_wait3A_472] : memref<5x128xi32, #tpu.memory_space<vmem>> -> memref<1x128xi32, #tpu.memory_space<vmem>>
          %dma_wait3A_474 = tpu.memref_squeeze %dma_wait3A_473 : memref<1x128xi32, #tpu.memory_space<vmem>> -> memref<128xi32, #tpu.memory_space<vmem>>
          %dma_wait3A_475 = arith.constant 0 : i32
          %dma_wait3A_476 = tpu.memref_slice %arg3[%add3A_442, %dma_wait3A_475] : memref<1600x128xi32, #tpu.memory_space<hbm>> -> memref<1x128xi32, #tpu.memory_space<hbm>>
          %dma_wait3A_477 = tpu.memref_squeeze %dma_wait3A_476 : memref<1x128xi32, #tpu.memory_space<hbm>> -> memref<128xi32, #tpu.memory_space<hbm>>
          %dma_wait3A_478 = arith.constant 0 : i32
          %dma_wait3A_479 = tpu.memref_slice %arg5[%run_scoped3A_443, %dma_wait3A_478] : memref<5x128xi32, #tpu.memory_space<vmem>> -> memref<1x128xi32, #tpu.memory_space<vmem>>
          %dma_wait3A_480 = tpu.memref_squeeze %dma_wait3A_479 : memref<1x128xi32, #tpu.memory_space<vmem>> -> memref<128xi32, #tpu.memory_space<vmem>>
          %dma_wait3A_481 = arith.constant 0 : i32
          %dma_wait3A_482 = tpu.memref_slice %arg3[%add3A_442, %dma_wait3A_481] : memref<1600x128xi32, #tpu.memory_space<hbm>> -> memref<1x128xi32, #tpu.memory_space<hbm>>
          %dma_wait3A_483 = tpu.memref_squeeze %dma_wait3A_482 : memref<1x128xi32, #tpu.memory_space<hbm>> -> memref<128xi32, #tpu.memory_space<hbm>>
          tpu.wait_dma2 semaphore(%run_scoped3A_459 : memref<!tpu.dma_semaphore, #tpu.memory_space<semaphore_mem>>) src(%dma_wait3A_483 : memref<128xi32, #tpu.memory_space<hbm>>) dst(%dma_wait3A_480 : memref<128xi32, #tpu.memory_space<vmem>>)
          tpu.yield
        }) : () -> ()
        %dma_start3A_444 = arith.constant 2 : i32
        %dma_start3A_445 = arith.constant 2 : i32
        %dma_start3A_446 = arith.constant 2 : i32
        %dma_start3A_447 = arith.constant 0 : i32
        %dma_start3A_448 = arith.constant 0 : i32
        %dma_start3A_449 = tpu.memref_slice %arg6[%dma_start3A_445, %dma_start3A_447, %dma_start3A_448] : memref<5x128x128xf32, #tpu.memory_space<vmem>> -> memref<1x128x128xf32, #tpu.memory_space<vmem>>
        %dma_start3A_450 = tpu.memref_squeeze %dma_start3A_449 : memref<1x128x128xf32, #tpu.memory_space<vmem>> -> memref<128x128xf32, #tpu.memory_space<vmem>>
        %dma_start3A_451 = arith.constant 0 : i32
        %dma_start3A_452 = tpu.memref_slice %arg5[%dma_start3A_444, %dma_start3A_451] : memref<5x128xi32, #tpu.memory_space<vmem>> -> memref<1x128xi32, #tpu.memory_space<vmem>>
        %dma_start3A_453 = tpu.memref_squeeze %dma_start3A_452 : memref<1x128xi32, #tpu.memory_space<vmem>> -> memref<128xi32, #tpu.memory_space<vmem>>
        %dma_start3A_454 = arith.constant 0 : i32
        %dma_start3A_455 = arith.constant 0 : i32
        %dma_start3A_456 = tpu.memref_slice %arg2[%dma_start3A_454, %dma_start3A_455] : memref<100000x128xf32, #tpu.memory_space<hbm>> -> memref<100000x128xf32, #tpu.memory_space<hbm>>
        %dma_start3A_457 = tpu.memref_slice %arg7[%dma_start3A_446] : memref<5x!tpu.dma_semaphore, #tpu.memory_space<semaphore_mem>> -> memref<1x!tpu.dma_semaphore, #tpu.memory_space<semaphore_mem>>
        %dma_start3A_458 = tpu.memref_squeeze %dma_start3A_457 : memref<1x!tpu.dma_semaphore, #tpu.memory_space<semaphore_mem>> -> memref<!tpu.dma_semaphore, #tpu.memory_space<semaphore_mem>>
        tpu.enqueue_indirect_dma source(%dma_start3A_456 : memref<100000x128xf32, #tpu.memory_space<hbm>>) target(%dma_start3A_450 : memref<128x128xf32, #tpu.memory_space<vmem>>) offsets(%dma_start3A_453 : memref<128xi32, #tpu.memory_space<vmem>>) semaphore(%dma_start3A_458 : memref<!tpu.dma_semaphore, #tpu.memory_space<semaphore_mem>>)
      } else {
      }
      %add3A_403 = arith.constant 5 : i32
      %add3A_404 = arith.addi %add3A_198, %add3A_403 : i32
      %add3A_405 = arith.constant 3 : i32
      %add3A_406 = arith.addi %add3A_404, %add3A_405 : i32
      %lt3A_407 = arith.constant 50 : i32
      %lt3A_408 = arith.cmpi slt, %add3A_406, %lt3A_407 : i32
      %convert_element_type3A_409 = arith.extui %lt3A_408 : i1 to i32
      %cond3A_410 = arith.constant 0 : i32
      %cond3A_411 = arith.cmpi ne, %convert_element_type3A_409, %cond3A_410 : i32
      scf.if %cond3A_411 {
        %add3A_421 = arith.constant 3 : i32
        %add3A_422 = arith.addi %add3A_198, %add3A_421 : i32
        %add3A_423 = arith.addi %mul3A_2, %add3A_422 : i32
        %mul3A_424 = arith.constant 128 : i32
        %mul3A_425 = arith.muli %add3A_423, %mul3A_424 : i32
        %dma_wait3A_426 = arith.constant 3 : i32
        %dma_wait3A_427 = arith.constant 3 : i32
        %dma_wait3A_428 = arith.constant 0 : i32
        %dma_wait3A_429 = arith.constant 0 : i32
        %dma_wait3A_430 = tpu.memref_slice %arg6[%dma_wait3A_426, %dma_wait3A_428, %dma_wait3A_429] : memref<5x128x128xf32, #tpu.memory_space<vmem>> -> memref<1x128x128xf32, #tpu.memory_space<vmem>>
        %dma_wait3A_431 = tpu.memref_squeeze %dma_wait3A_430 : memref<1x128x128xf32, #tpu.memory_space<vmem>> -> memref<128x128xf32, #tpu.memory_space<vmem>>
        %dma_wait3A_432 = arith.constant 0 : i32
        %dma_wait3A_433 = tpu.memref_slice %arg4[%mul3A_425, %dma_wait3A_432] : memref<204800x128xf32, #tpu.memory_space<hbm>> -> memref<128x128xf32, #tpu.memory_space<hbm>>
        %dma_wait3A_434 = tpu.memref_slice %arg8[%dma_wait3A_427] : memref<5x!tpu.dma_semaphore, #tpu.memory_space<semaphore_mem>> -> memref<1x!tpu.dma_semaphore, #tpu.memory_space<semaphore_mem>>
        %dma_wait3A_435 = tpu.memref_squeeze %dma_wait3A_434 : memref<1x!tpu.dma_semaphore, #tpu.memory_space<semaphore_mem>> -> memref<!tpu.dma_semaphore, #tpu.memory_space<semaphore_mem>>
        %dma_wait3A_436 = arith.constant 0 : i32
        %dma_wait3A_437 = tpu.memref_slice %arg4[%mul3A_425, %dma_wait3A_436] : memref<204800x128xf32, #tpu.memory_space<hbm>> -> memref<128x128xf32, #tpu.memory_space<hbm>>
        %dma_wait3A_438 = arith.constant 0 : i32
        %dma_wait3A_439 = arith.constant 0 : i32
        %dma_wait3A_440 = tpu.memref_slice %arg6[%dma_wait3A_426, %dma_wait3A_438, %dma_wait3A_439] : memref<5x128x128xf32, #tpu.memory_space<vmem>> -> memref<1x128x128xf32, #tpu.memory_space<vmem>>
        %dma_wait3A_441 = tpu.memref_squeeze %dma_wait3A_440 : memref<1x128x128xf32, #tpu.memory_space<vmem>> -> memref<128x128xf32, #tpu.memory_space<vmem>>
        tpu.wait_dma2 semaphore(%dma_wait3A_435 : memref<!tpu.dma_semaphore, #tpu.memory_space<semaphore_mem>>) src(%dma_wait3A_441 : memref<128x128xf32, #tpu.memory_space<vmem>>) dst(%dma_wait3A_437 : memref<128x128xf32, #tpu.memory_space<hbm>>)
        %add3A_442 = arith.addi %mul3A_2, %add3A_406 : i32
        %run_scoped3A_443 = arith.constant 3 : i32
        "tpu.region"() ({
          %run_scoped3A_459 = tpu.sem_alloc : memref<!tpu.dma_semaphore, #tpu.memory_space<semaphore_mem>>
          %dma_start3A_460 = arith.constant 0 : i32
          %dma_start3A_461 = tpu.memref_slice %arg5[%run_scoped3A_443, %dma_start3A_460] : memref<5x128xi32, #tpu.memory_space<vmem>> -> memref<1x128xi32, #tpu.memory_space<vmem>>
          %dma_start3A_462 = tpu.memref_squeeze %dma_start3A_461 : memref<1x128xi32, #tpu.memory_space<vmem>> -> memref<128xi32, #tpu.memory_space<vmem>>
          %dma_start3A_463 = arith.constant 0 : i32
          %dma_start3A_464 = tpu.memref_slice %arg3[%add3A_442, %dma_start3A_463] : memref<1600x128xi32, #tpu.memory_space<hbm>> -> memref<1x128xi32, #tpu.memory_space<hbm>>
          %dma_start3A_465 = tpu.memref_squeeze %dma_start3A_464 : memref<1x128xi32, #tpu.memory_space<hbm>> -> memref<128xi32, #tpu.memory_space<hbm>>
          %dma_start3A_466 = arith.constant 0 : i32
          %dma_start3A_467 = tpu.memref_slice %arg5[%run_scoped3A_443, %dma_start3A_466] : memref<5x128xi32, #tpu.memory_space<vmem>> -> memref<1x128xi32, #tpu.memory_space<vmem>>
          %dma_start3A_468 = tpu.memref_squeeze %dma_start3A_467 : memref<1x128xi32, #tpu.memory_space<vmem>> -> memref<128xi32, #tpu.memory_space<vmem>>
          %dma_start3A_469 = arith.constant 0 : i32
          %dma_start3A_470 = tpu.memref_slice %arg3[%add3A_442, %dma_start3A_469] : memref<1600x128xi32, #tpu.memory_space<hbm>> -> memref<1x128xi32, #tpu.memory_space<hbm>>
          %dma_start3A_471 = tpu.memref_squeeze %dma_start3A_470 : memref<1x128xi32, #tpu.memory_space<hbm>> -> memref<128xi32, #tpu.memory_space<hbm>>
          tpu.enqueue_dma source(%dma_start3A_471 : memref<128xi32, #tpu.memory_space<hbm>>) target(%dma_start3A_468 : memref<128xi32, #tpu.memory_space<vmem>>) target_semaphore(%run_scoped3A_459 : memref<!tpu.dma_semaphore, #tpu.memory_space<semaphore_mem>>)
          %dma_wait3A_472 = arith.constant 0 : i32
          %dma_wait3A_473 = tpu.memref_slice %arg5[%run_scoped3A_443, %dma_wait3A_472] : memref<5x128xi32, #tpu.memory_space<vmem>> -> memref<1x128xi32, #tpu.memory_space<vmem>>
          %dma_wait3A_474 = tpu.memref_squeeze %dma_wait3A_473 : memref<1x128xi32, #tpu.memory_space<vmem>> -> memref<128xi32, #tpu.memory_space<vmem>>
          %dma_wait3A_475 = arith.constant 0 : i32
          %dma_wait3A_476 = tpu.memref_slice %arg3[%add3A_442, %dma_wait3A_475] : memref<1600x128xi32, #tpu.memory_space<hbm>> -> memref<1x128xi32, #tpu.memory_space<hbm>>
          %dma_wait3A_477 = tpu.memref_squeeze %dma_wait3A_476 : memref<1x128xi32, #tpu.memory_space<hbm>> -> memref<128xi32, #tpu.memory_space<hbm>>
          %dma_wait3A_478 = arith.constant 0 : i32
          %dma_wait3A_479 = tpu.memref_slice %arg5[%run_scoped3A_443, %dma_wait3A_478] : memref<5x128xi32, #tpu.memory_space<vmem>> -> memref<1x128xi32, #tpu.memory_space<vmem>>
          %dma_wait3A_480 = tpu.memref_squeeze %dma_wait3A_479 : memref<1x128xi32, #tpu.memory_space<vmem>> -> memref<128xi32, #tpu.memory_space<vmem>>
          %dma_wait3A_481 = arith.constant 0 : i32
          %dma_wait3A_482 = tpu.memref_slice %arg3[%add3A_442, %dma_wait3A_481] : memref<1600x128xi32, #tpu.memory_space<hbm>> -> memref<1x128xi32, #tpu.memory_space<hbm>>
          %dma_wait3A_483 = tpu.memref_squeeze %dma_wait3A_482 : memref<1x128xi32, #tpu.memory_space<hbm>> -> memref<128xi32, #tpu.memory_space<hbm>>
          tpu.wait_dma2 semaphore(%run_scoped3A_459 : memref<!tpu.dma_semaphore, #tpu.memory_space<semaphore_mem>>) src(%dma_wait3A_483 : memref<128xi32, #tpu.memory_space<hbm>>) dst(%dma_wait3A_480 : memref<128xi32, #tpu.memory_space<vmem>>)
          tpu.yield
        }) : () -> ()
        %dma_start3A_444 = arith.constant 3 : i32
        %dma_start3A_445 = arith.constant 3 : i32
        %dma_start3A_446 = arith.constant 3 : i32
        %dma_start3A_447 = arith.constant 0 : i32
        %dma_start3A_448 = arith.constant 0 : i32
        %dma_start3A_449 = tpu.memref_slice %arg6[%dma_start3A_445, %dma_start3A_447, %dma_start3A_448] : memref<5x128x128xf32, #tpu.memory_space<vmem>> -> memref<1x128x128xf32, #tpu.memory_space<vmem>>
        %dma_start3A_450 = tpu.memref_squeeze %dma_start3A_449 : memref<1x128x128xf32, #tpu.memory_space<vmem>> -> memref<128x128xf32, #tpu.memory_space<vmem>>
        %dma_start3A_451 = arith.constant 0 : i32
        %dma_start3A_452 = tpu.memref_slice %arg5[%dma_start3A_444, %dma_start3A_451] : memref<5x128xi32, #tpu.memory_space<vmem>> -> memref<1x128xi32, #tpu.memory_space<vmem>>
        %dma_start3A_453 = tpu.memref_squeeze %dma_start3A_452 : memref<1x128xi32, #tpu.memory_space<vmem>> -> memref<128xi32, #tpu.memory_space<vmem>>
        %dma_start3A_454 = arith.constant 0 : i32
        %dma_start3A_455 = arith.constant 0 : i32
        %dma_start3A_456 = tpu.memref_slice %arg2[%dma_start3A_454, %dma_start3A_455] : memref<100000x128xf32, #tpu.memory_space<hbm>> -> memref<100000x128xf32, #tpu.memory_space<hbm>>
        %dma_start3A_457 = tpu.memref_slice %arg7[%dma_start3A_446] : memref<5x!tpu.dma_semaphore, #tpu.memory_space<semaphore_mem>> -> memref<1x!tpu.dma_semaphore, #tpu.memory_space<semaphore_mem>>
        %dma_start3A_458 = tpu.memref_squeeze %dma_start3A_457 : memref<1x!tpu.dma_semaphore, #tpu.memory_space<semaphore_mem>> -> memref<!tpu.dma_semaphore, #tpu.memory_space<semaphore_mem>>
        tpu.enqueue_indirect_dma source(%dma_start3A_456 : memref<100000x128xf32, #tpu.memory_space<hbm>>) target(%dma_start3A_450 : memref<128x128xf32, #tpu.memory_space<vmem>>) offsets(%dma_start3A_453 : memref<128xi32, #tpu.memory_space<vmem>>) semaphore(%dma_start3A_458 : memref<!tpu.dma_semaphore, #tpu.memory_space<semaphore_mem>>)
      } else {
      }
      %add3A_412 = arith.constant 5 : i32
      %add3A_413 = arith.addi %add3A_198, %add3A_412 : i32
      %add3A_414 = arith.constant 4 : i32
      %add3A_415 = arith.addi %add3A_413, %add3A_414 : i32
      %lt3A_416 = arith.constant 50 : i32
      %lt3A_417 = arith.cmpi slt, %add3A_415, %lt3A_416 : i32
      %convert_element_type3A_418 = arith.extui %lt3A_417 : i1 to i32
      %cond3A_419 = arith.constant 0 : i32
      %cond3A_420 = arith.cmpi ne, %convert_element_type3A_418, %cond3A_419 : i32
      scf.if %cond3A_420 {
        %add3A_421 = arith.constant 4 : i32
        %add3A_422 = arith.addi %add3A_198, %add3A_421 : i32
        %add3A_423 = arith.addi %mul3A_2, %add3A_422 : i32
        %mul3A_424 = arith.constant 128 : i32
        %mul3A_425 = arith.muli %add3A_423, %mul3A_424 : i32
        %dma_wait3A_426 = arith.constant 4 : i32
        %dma_wait3A_427 = arith.constant 4 : i32
        %dma_wait3A_428 = arith.constant 0 : i32
        %dma_wait3A_429 = arith.constant 0 : i32
        %dma_wait3A_430 = tpu.memref_slice %arg6[%dma_wait3A_426, %dma_wait3A_428, %dma_wait3A_429] : memref<5x128x128xf32, #tpu.memory_space<vmem>> -> memref<1x128x128xf32, #tpu.memory_space<vmem>>
        %dma_wait3A_431 = tpu.memref_squeeze %dma_wait3A_430 : memref<1x128x128xf32, #tpu.memory_space<vmem>> -> memref<128x128xf32, #tpu.memory_space<vmem>>
        %dma_wait3A_432 = arith.constant 0 : i32
        %dma_wait3A_433 = tpu.memref_slice %arg4[%mul3A_425, %dma_wait3A_432] : memref<204800x128xf32, #tpu.memory_space<hbm>> -> memref<128x128xf32, #tpu.memory_space<hbm>>
        %dma_wait3A_434 = tpu.memref_slice %arg8[%dma_wait3A_427] : memref<5x!tpu.dma_semaphore, #tpu.memory_space<semaphore_mem>> -> memref<1x!tpu.dma_semaphore, #tpu.memory_space<semaphore_mem>>
        %dma_wait3A_435 = tpu.memref_squeeze %dma_wait3A_434 : memref<1x!tpu.dma_semaphore, #tpu.memory_space<semaphore_mem>> -> memref<!tpu.dma_semaphore, #tpu.memory_space<semaphore_mem>>
        %dma_wait3A_436 = arith.constant 0 : i32
        %dma_wait3A_437 = tpu.memref_slice %arg4[%mul3A_425, %dma_wait3A_436] : memref<204800x128xf32, #tpu.memory_space<hbm>> -> memref<128x128xf32, #tpu.memory_space<hbm>>
        %dma_wait3A_438 = arith.constant 0 : i32
        %dma_wait3A_439 = arith.constant 0 : i32
        %dma_wait3A_440 = tpu.memref_slice %arg6[%dma_wait3A_426, %dma_wait3A_438, %dma_wait3A_439] : memref<5x128x128xf32, #tpu.memory_space<vmem>> -> memref<1x128x128xf32, #tpu.memory_space<vmem>>
        %dma_wait3A_441 = tpu.memref_squeeze %dma_wait3A_440 : memref<1x128x128xf32, #tpu.memory_space<vmem>> -> memref<128x128xf32, #tpu.memory_space<vmem>>
        tpu.wait_dma2 semaphore(%dma_wait3A_435 : memref<!tpu.dma_semaphore, #tpu.memory_space<semaphore_mem>>) src(%dma_wait3A_441 : memref<128x128xf32, #tpu.memory_space<vmem>>) dst(%dma_wait3A_437 : memref<128x128xf32, #tpu.memory_space<hbm>>)
        %add3A_442 = arith.addi %mul3A_2, %add3A_415 : i32
        %run_scoped3A_443 = arith.constant 4 : i32
        "tpu.region"() ({
          %run_scoped3A_459 = tpu.sem_alloc : memref<!tpu.dma_semaphore, #tpu.memory_space<semaphore_mem>>
          %dma_start3A_460 = arith.constant 0 : i32
          %dma_start3A_461 = tpu.memref_slice %arg5[%run_scoped3A_443, %dma_start3A_460] : memref<5x128xi32, #tpu.memory_space<vmem>> -> memref<1x128xi32, #tpu.memory_space<vmem>>
          %dma_start3A_462 = tpu.memref_squeeze %dma_start3A_461 : memref<1x128xi32, #tpu.memory_space<vmem>> -> memref<128xi32, #tpu.memory_space<vmem>>
          %dma_start3A_463 = arith.constant 0 : i32
          %dma_start3A_464 = tpu.memref_slice %arg3[%add3A_442, %dma_start3A_463] : memref<1600x128xi32, #tpu.memory_space<hbm>> -> memref<1x128xi32, #tpu.memory_space<hbm>>
          %dma_start3A_465 = tpu.memref_squeeze %dma_start3A_464 : memref<1x128xi32, #tpu.memory_space<hbm>> -> memref<128xi32, #tpu.memory_space<hbm>>
          %dma_start3A_466 = arith.constant 0 : i32
          %dma_start3A_467 = tpu.memref_slice %arg5[%run_scoped3A_443, %dma_start3A_466] : memref<5x128xi32, #tpu.memory_space<vmem>> -> memref<1x128xi32, #tpu.memory_space<vmem>>
          %dma_start3A_468 = tpu.memref_squeeze %dma_start3A_467 : memref<1x128xi32, #tpu.memory_space<vmem>> -> memref<128xi32, #tpu.memory_space<vmem>>
          %dma_start3A_469 = arith.constant 0 : i32
          %dma_start3A_470 = tpu.memref_slice %arg3[%add3A_442, %dma_start3A_469] : memref<1600x128xi32, #tpu.memory_space<hbm>> -> memref<1x128xi32, #tpu.memory_space<hbm>>
          %dma_start3A_471 = tpu.memref_squeeze %dma_start3A_470 : memref<1x128xi32, #tpu.memory_space<hbm>> -> memref<128xi32, #tpu.memory_space<hbm>>
          tpu.enqueue_dma source(%dma_start3A_471 : memref<128xi32, #tpu.memory_space<hbm>>) target(%dma_start3A_468 : memref<128xi32, #tpu.memory_space<vmem>>) target_semaphore(%run_scoped3A_459 : memref<!tpu.dma_semaphore, #tpu.memory_space<semaphore_mem>>)
          %dma_wait3A_472 = arith.constant 0 : i32
          %dma_wait3A_473 = tpu.memref_slice %arg5[%run_scoped3A_443, %dma_wait3A_472] : memref<5x128xi32, #tpu.memory_space<vmem>> -> memref<1x128xi32, #tpu.memory_space<vmem>>
          %dma_wait3A_474 = tpu.memref_squeeze %dma_wait3A_473 : memref<1x128xi32, #tpu.memory_space<vmem>> -> memref<128xi32, #tpu.memory_space<vmem>>
          %dma_wait3A_475 = arith.constant 0 : i32
          %dma_wait3A_476 = tpu.memref_slice %arg3[%add3A_442, %dma_wait3A_475] : memref<1600x128xi32, #tpu.memory_space<hbm>> -> memref<1x128xi32, #tpu.memory_space<hbm>>
          %dma_wait3A_477 = tpu.memref_squeeze %dma_wait3A_476 : memref<1x128xi32, #tpu.memory_space<hbm>> -> memref<128xi32, #tpu.memory_space<hbm>>
          %dma_wait3A_478 = arith.constant 0 : i32
          %dma_wait3A_479 = tpu.memref_slice %arg5[%run_scoped3A_443, %dma_wait3A_478] : memref<5x128xi32, #tpu.memory_space<vmem>> -> memref<1x128xi32, #tpu.memory_space<vmem>>
          %dma_wait3A_480 = tpu.memref_squeeze %dma_wait3A_479 : memref<1x128xi32, #tpu.memory_space<vmem>> -> memref<128xi32, #tpu.memory_space<vmem>>
          %dma_wait3A_481 = arith.constant 0 : i32
          %dma_wait3A_482 = tpu.memref_slice %arg3[%add3A_442, %dma_wait3A_481] : memref<1600x128xi32, #tpu.memory_space<hbm>> -> memref<1x128xi32, #tpu.memory_space<hbm>>
          %dma_wait3A_483 = tpu.memref_squeeze %dma_wait3A_482 : memref<1x128xi32, #tpu.memory_space<hbm>> -> memref<128xi32, #tpu.memory_space<hbm>>
          tpu.wait_dma2 semaphore(%run_scoped3A_459 : memref<!tpu.dma_semaphore, #tpu.memory_space<semaphore_mem>>) src(%dma_wait3A_483 : memref<128xi32, #tpu.memory_space<hbm>>) dst(%dma_wait3A_480 : memref<128xi32, #tpu.memory_space<vmem>>)
          tpu.yield
        }) : () -> ()
        %dma_start3A_444 = arith.constant 4 : i32
        %dma_start3A_445 = arith.constant 4 : i32
        %dma_start3A_446 = arith.constant 4 : i32
        %dma_start3A_447 = arith.constant 0 : i32
        %dma_start3A_448 = arith.constant 0 : i32
        %dma_start3A_449 = tpu.memref_slice %arg6[%dma_start3A_445, %dma_start3A_447, %dma_start3A_448] : memref<5x128x128xf32, #tpu.memory_space<vmem>> -> memref<1x128x128xf32, #tpu.memory_space<vmem>>
        %dma_start3A_450 = tpu.memref_squeeze %dma_start3A_449 : memref<1x128x128xf32, #tpu.memory_space<vmem>> -> memref<128x128xf32, #tpu.memory_space<vmem>>
        %dma_start3A_451 = arith.constant 0 : i32
        %dma_start3A_452 = tpu.memref_slice %arg5[%dma_start3A_444, %dma_start3A_451] : memref<5x128xi32, #tpu.memory_space<vmem>> -> memref<1x128xi32, #tpu.memory_space<vmem>>
        %dma_start3A_453 = tpu.memref_squeeze %dma_start3A_452 : memref<1x128xi32, #tpu.memory_space<vmem>> -> memref<128xi32, #tpu.memory_space<vmem>>
        %dma_start3A_454 = arith.constant 0 : i32
        %dma_start3A_455 = arith.constant 0 : i32
        %dma_start3A_456 = tpu.memref_slice %arg2[%dma_start3A_454, %dma_start3A_455] : memref<100000x128xf32, #tpu.memory_space<hbm>> -> memref<100000x128xf32, #tpu.memory_space<hbm>>
        %dma_start3A_457 = tpu.memref_slice %arg7[%dma_start3A_446] : memref<5x!tpu.dma_semaphore, #tpu.memory_space<semaphore_mem>> -> memref<1x!tpu.dma_semaphore, #tpu.memory_space<semaphore_mem>>
        %dma_start3A_458 = tpu.memref_squeeze %dma_start3A_457 : memref<1x!tpu.dma_semaphore, #tpu.memory_space<semaphore_mem>> -> memref<!tpu.dma_semaphore, #tpu.memory_space<semaphore_mem>>
        tpu.enqueue_indirect_dma source(%dma_start3A_456 : memref<100000x128xf32, #tpu.memory_space<hbm>>) target(%dma_start3A_450 : memref<128x128xf32, #tpu.memory_space<vmem>>) offsets(%dma_start3A_453 : memref<128xi32, #tpu.memory_space<vmem>>) semaphore(%dma_start3A_458 : memref<!tpu.dma_semaphore, #tpu.memory_space<semaphore_mem>>)
      } else {
      }
    }
    %scan3A_94 = arith.constant 10 : i32
    %add3A_95 = arith.constant 45 : i32
    %add3A_96 = arith.addi %mul3A_2, %add3A_95 : i32
    %mul3A_97 = arith.constant 128 : i32
    %mul3A_98 = arith.muli %add3A_96, %mul3A_97 : i32
    %dma_wait3A = arith.constant 0 : i32
    %dma_wait3A_99 = arith.constant 0 : i32
    %dma_wait3A_100 = arith.constant 0 : i32
    %dma_wait3A_101 = arith.constant 0 : i32
    %dma_wait3A_102 = tpu.memref_slice %arg6[%dma_wait3A, %dma_wait3A_100, %dma_wait3A_101] : memref<5x128x128xf32, #tpu.memory_space<vmem>> -> memref<1x128x128xf32, #tpu.memory_space<vmem>>
    %dma_wait3A_103 = tpu.memref_squeeze %dma_wait3A_102 : memref<1x128x128xf32, #tpu.memory_space<vmem>> -> memref<128x128xf32, #tpu.memory_space<vmem>>
    %dma_wait3A_104 = arith.constant 0 : i32
    %dma_wait3A_105 = tpu.memref_slice %arg4[%mul3A_98, %dma_wait3A_104] : memref<204800x128xf32, #tpu.memory_space<hbm>> -> memref<128x128xf32, #tpu.memory_space<hbm>>
    %dma_wait3A_106 = tpu.memref_slice %arg8[%dma_wait3A_99] : memref<5x!tpu.dma_semaphore, #tpu.memory_space<semaphore_mem>> -> memref<1x!tpu.dma_semaphore, #tpu.memory_space<semaphore_mem>>
    %dma_wait3A_107 = tpu.memref_squeeze %dma_wait3A_106 : memref<1x!tpu.dma_semaphore, #tpu.memory_space<semaphore_mem>> -> memref<!tpu.dma_semaphore, #tpu.memory_space<semaphore_mem>>
    %dma_wait3A_108 = arith.constant 0 : i32
    %dma_wait3A_109 = tpu.memref_slice %arg4[%mul3A_98, %dma_wait3A_108] : memref<204800x128xf32, #tpu.memory_space<hbm>> -> memref<128x128xf32, #tpu.memory_space<hbm>>
    %dma_wait3A_110 = arith.constant 0 : i32
    %dma_wait3A_111 = arith.constant 0 : i32
    %dma_wait3A_112 = tpu.memref_slice %arg6[%dma_wait3A, %dma_wait3A_110, %dma_wait3A_111] : memref<5x128x128xf32, #tpu.memory_space<vmem>> -> memref<1x128x128xf32, #tpu.memory_space<vmem>>
    %dma_wait3A_113 = tpu.memref_squeeze %dma_wait3A_112 : memref<1x128x128xf32, #tpu.memory_space<vmem>> -> memref<128x128xf32, #tpu.memory_space<vmem>>
    tpu.wait_dma2 semaphore(%dma_wait3A_107 : memref<!tpu.dma_semaphore, #tpu.memory_space<semaphore_mem>>) src(%dma_wait3A_113 : memref<128x128xf32, #tpu.memory_space<vmem>>) dst(%dma_wait3A_109 : memref<128x128xf32, #tpu.memory_space<hbm>>)
    %add3A_114 = arith.constant 46 : i32
    %add3A_115 = arith.addi %mul3A_2, %add3A_114 : i32
    %mul3A_116 = arith.constant 128 : i32
    %mul3A_117 = arith.muli %add3A_115, %mul3A_116 : i32
    %dma_wait3A_118 = arith.constant 1 : i32
    %dma_wait3A_119 = arith.constant 1 : i32
    %dma_wait3A_120 = arith.constant 0 : i32
    %dma_wait3A_121 = arith.constant 0 : i32
    %dma_wait3A_122 = tpu.memref_slice %arg6[%dma_wait3A_118, %dma_wait3A_120, %dma_wait3A_121] : memref<5x128x128xf32, #tpu.memory_space<vmem>> -> memref<1x128x128xf32, #tpu.memory_space<vmem>>
    %dma_wait3A_123 = tpu.memref_squeeze %dma_wait3A_122 : memref<1x128x128xf32, #tpu.memory_space<vmem>> -> memref<128x128xf32, #tpu.memory_space<vmem>>
    %dma_wait3A_124 = arith.constant 0 : i32
    %dma_wait3A_125 = tpu.memref_slice %arg4[%mul3A_117, %dma_wait3A_124] : memref<204800x128xf32, #tpu.memory_space<hbm>> -> memref<128x128xf32, #tpu.memory_space<hbm>>
    %dma_wait3A_126 = tpu.memref_slice %arg8[%dma_wait3A_119] : memref<5x!tpu.dma_semaphore, #tpu.memory_space<semaphore_mem>> -> memref<1x!tpu.dma_semaphore, #tpu.memory_space<semaphore_mem>>
    %dma_wait3A_127 = tpu.memref_squeeze %dma_wait3A_126 : memref<1x!tpu.dma_semaphore, #tpu.memory_space<semaphore_mem>> -> memref<!tpu.dma_semaphore, #tpu.memory_space<semaphore_mem>>
    %dma_wait3A_128 = arith.constant 0 : i32
    %dma_wait3A_129 = tpu.memref_slice %arg4[%mul3A_117, %dma_wait3A_128] : memref<204800x128xf32, #tpu.memory_space<hbm>> -> memref<128x128xf32, #tpu.memory_space<hbm>>
    %dma_wait3A_130 = arith.constant 0 : i32
    %dma_wait3A_131 = arith.constant 0 : i32
    %dma_wait3A_132 = tpu.memref_slice %arg6[%dma_wait3A_118, %dma_wait3A_130, %dma_wait3A_131] : memref<5x128x128xf32, #tpu.memory_space<vmem>> -> memref<1x128x128xf32, #tpu.memory_space<vmem>>
    %dma_wait3A_133 = tpu.memref_squeeze %dma_wait3A_132 : memref<1x128x128xf32, #tpu.memory_space<vmem>> -> memref<128x128xf32, #tpu.memory_space<vmem>>
    tpu.wait_dma2 semaphore(%dma_wait3A_127 : memref<!tpu.dma_semaphore, #tpu.memory_space<semaphore_mem>>) src(%dma_wait3A_133 : memref<128x128xf32, #tpu.memory_space<vmem>>) dst(%dma_wait3A_129 : memref<128x128xf32, #tpu.memory_space<hbm>>)
    %add3A_134 = arith.constant 47 : i32
    %add3A_135 = arith.addi %mul3A_2, %add3A_134 : i32
    %mul3A_136 = arith.constant 128 : i32
    %mul3A_137 = arith.muli %add3A_135, %mul3A_136 : i32
    %dma_wait3A_138 = arith.constant 2 : i32
    %dma_wait3A_139 = arith.constant 2 : i32
    %dma_wait3A_140 = arith.constant 0 : i32
    %dma_wait3A_141 = arith.constant 0 : i32
    %dma_wait3A_142 = tpu.memref_slice %arg6[%dma_wait3A_138, %dma_wait3A_140, %dma_wait3A_141] : memref<5x128x128xf32, #tpu.memory_space<vmem>> -> memref<1x128x128xf32, #tpu.memory_space<vmem>>
    %dma_wait3A_143 = tpu.memref_squeeze %dma_wait3A_142 : memref<1x128x128xf32, #tpu.memory_space<vmem>> -> memref<128x128xf32, #tpu.memory_space<vmem>>
    %dma_wait3A_144 = arith.constant 0 : i32
    %dma_wait3A_145 = tpu.memref_slice %arg4[%mul3A_137, %dma_wait3A_144] : memref<204800x128xf32, #tpu.memory_space<hbm>> -> memref<128x128xf32, #tpu.memory_space<hbm>>
    %dma_wait3A_146 = tpu.memref_slice %arg8[%dma_wait3A_139] : memref<5x!tpu.dma_semaphore, #tpu.memory_space<semaphore_mem>> -> memref<1x!tpu.dma_semaphore, #tpu.memory_space<semaphore_mem>>
    %dma_wait3A_147 = tpu.memref_squeeze %dma_wait3A_146 : memref<1x!tpu.dma_semaphore, #tpu.memory_space<semaphore_mem>> -> memref<!tpu.dma_semaphore, #tpu.memory_space<semaphore_mem>>
    %dma_wait3A_148 = arith.constant 0 : i32
    %dma_wait3A_149 = tpu.memref_slice %arg4[%mul3A_137, %dma_wait3A_148] : memref<204800x128xf32, #tpu.memory_space<hbm>> -> memref<128x128xf32, #tpu.memory_space<hbm>>
    %dma_wait3A_150 = arith.constant 0 : i32
    %dma_wait3A_151 = arith.constant 0 : i32
    %dma_wait3A_152 = tpu.memref_slice %arg6[%dma_wait3A_138, %dma_wait3A_150, %dma_wait3A_151] : memref<5x128x128xf32, #tpu.memory_space<vmem>> -> memref<1x128x128xf32, #tpu.memory_space<vmem>>
    %dma_wait3A_153 = tpu.memref_squeeze %dma_wait3A_152 : memref<1x128x128xf32, #tpu.memory_space<vmem>> -> memref<128x128xf32, #tpu.memory_space<vmem>>
    tpu.wait_dma2 semaphore(%dma_wait3A_147 : memref<!tpu.dma_semaphore, #tpu.memory_space<semaphore_mem>>) src(%dma_wait3A_153 : memref<128x128xf32, #tpu.memory_space<vmem>>) dst(%dma_wait3A_149 : memref<128x128xf32, #tpu.memory_space<hbm>>)
    %add3A_154 = arith.constant 48 : i32
    %add3A_155 = arith.addi %mul3A_2, %add3A_154 : i32
    %mul3A_156 = arith.constant 128 : i32
    %mul3A_157 = arith.muli %add3A_155, %mul3A_156 : i32
    %dma_wait3A_158 = arith.constant 3 : i32
    %dma_wait3A_159 = arith.constant 3 : i32
    %dma_wait3A_160 = arith.constant 0 : i32
    %dma_wait3A_161 = arith.constant 0 : i32
    %dma_wait3A_162 = tpu.memref_slice %arg6[%dma_wait3A_158, %dma_wait3A_160, %dma_wait3A_161] : memref<5x128x128xf32, #tpu.memory_space<vmem>> -> memref<1x128x128xf32, #tpu.memory_space<vmem>>
    %dma_wait3A_163 = tpu.memref_squeeze %dma_wait3A_162 : memref<1x128x128xf32, #tpu.memory_space<vmem>> -> memref<128x128xf32, #tpu.memory_space<vmem>>
    %dma_wait3A_164 = arith.constant 0 : i32
    %dma_wait3A_165 = tpu.memref_slice %arg4[%mul3A_157, %dma_wait3A_164] : memref<204800x128xf32, #tpu.memory_space<hbm>> -> memref<128x128xf32, #tpu.memory_space<hbm>>
    %dma_wait3A_166 = tpu.memref_slice %arg8[%dma_wait3A_159] : memref<5x!tpu.dma_semaphore, #tpu.memory_space<semaphore_mem>> -> memref<1x!tpu.dma_semaphore, #tpu.memory_space<semaphore_mem>>
    %dma_wait3A_167 = tpu.memref_squeeze %dma_wait3A_166 : memref<1x!tpu.dma_semaphore, #tpu.memory_space<semaphore_mem>> -> memref<!tpu.dma_semaphore, #tpu.memory_space<semaphore_mem>>
    %dma_wait3A_168 = arith.constant 0 : i32
    %dma_wait3A_169 = tpu.memref_slice %arg4[%mul3A_157, %dma_wait3A_168] : memref<204800x128xf32, #tpu.memory_space<hbm>> -> memref<128x128xf32, #tpu.memory_space<hbm>>
    %dma_wait3A_170 = arith.constant 0 : i32
    %dma_wait3A_171 = arith.constant 0 : i32
    %dma_wait3A_172 = tpu.memref_slice %arg6[%dma_wait3A_158, %dma_wait3A_170, %dma_wait3A_171] : memref<5x128x128xf32, #tpu.memory_space<vmem>> -> memref<1x128x128xf32, #tpu.memory_space<vmem>>
    %dma_wait3A_173 = tpu.memref_squeeze %dma_wait3A_172 : memref<1x128x128xf32, #tpu.memory_space<vmem>> -> memref<128x128xf32, #tpu.memory_space<vmem>>
    tpu.wait_dma2 semaphore(%dma_wait3A_167 : memref<!tpu.dma_semaphore, #tpu.memory_space<semaphore_mem>>) src(%dma_wait3A_173 : memref<128x128xf32, #tpu.memory_space<vmem>>) dst(%dma_wait3A_169 : memref<128x128xf32, #tpu.memory_space<hbm>>)
    %add3A_174 = arith.constant 49 : i32
    %add3A_175 = arith.addi %mul3A_2, %add3A_174 : i32
    %mul3A_176 = arith.constant 128 : i32
    %mul3A_177 = arith.muli %add3A_175, %mul3A_176 : i32
    %dma_wait3A_178 = arith.constant 4 : i32
    %dma_wait3A_179 = arith.constant 4 : i32
    %dma_wait3A_180 = arith.constant 0 : i32
    %dma_wait3A_181 = arith.constant 0 : i32
    %dma_wait3A_182 = tpu.memref_slice %arg6[%dma_wait3A_178, %dma_wait3A_180, %dma_wait3A_181] : memref<5x128x128xf32, #tpu.memory_space<vmem>> -> memref<1x128x128xf32, #tpu.memory_space<vmem>>
    %dma_wait3A_183 = tpu.memref_squeeze %dma_wait3A_182 : memref<1x128x128xf32, #tpu.memory_space<vmem>> -> memref<128x128xf32, #tpu.memory_space<vmem>>
    %dma_wait3A_184 = arith.constant 0 : i32
    %dma_wait3A_185 = tpu.memref_slice %arg4[%mul3A_177, %dma_wait3A_184] : memref<204800x128xf32, #tpu.memory_space<hbm>> -> memref<128x128xf32, #tpu.memory_space<hbm>>
    %dma_wait3A_186 = tpu.memref_slice %arg8[%dma_wait3A_179] : memref<5x!tpu.dma_semaphore, #tpu.memory_space<semaphore_mem>> -> memref<1x!tpu.dma_semaphore, #tpu.memory_space<semaphore_mem>>
    %dma_wait3A_187 = tpu.memref_squeeze %dma_wait3A_186 : memref<1x!tpu.dma_semaphore, #tpu.memory_space<semaphore_mem>> -> memref<!tpu.dma_semaphore, #tpu.memory_space<semaphore_mem>>
    %dma_wait3A_188 = arith.constant 0 : i32
    %dma_wait3A_189 = tpu.memref_slice %arg4[%mul3A_177, %dma_wait3A_188] : memref<204800x128xf32, #tpu.memory_space<hbm>> -> memref<128x128xf32, #tpu.memory_space<hbm>>
    %dma_wait3A_190 = arith.constant 0 : i32
    %dma_wait3A_191 = arith.constant 0 : i32
    %dma_wait3A_192 = tpu.memref_slice %arg6[%dma_wait3A_178, %dma_wait3A_190, %dma_wait3A_191] : memref<5x128x128xf32, #tpu.memory_space<vmem>> -> memref<1x128x128xf32, #tpu.memory_space<vmem>>
    %dma_wait3A_193 = tpu.memref_squeeze %dma_wait3A_192 : memref<1x128x128xf32, #tpu.memory_space<vmem>> -> memref<128x128xf32, #tpu.memory_space<vmem>>
    tpu.wait_dma2 semaphore(%dma_wait3A_187 : memref<!tpu.dma_semaphore, #tpu.memory_space<semaphore_mem>>) src(%dma_wait3A_193 : memref<128x128xf32, #tpu.memory_space<vmem>>) dst(%dma_wait3A_189 : memref<128x128xf32, #tpu.memory_space<hbm>>)
    return
  }
}

</mosaic_0001>

<sc_bundles>
// kernel: _sc_gather.3.cloned.1.call-start
scs
__scs_entry_jumppad:
0x0: {  	(pc) =	sbr.rel $0x88, $3  }
0x1: {  	(tag) =	ssettag $0x0;
	lr =	simm.s32 $0x1  }
0x2: {  	[smem:$0x3F9F] =	sst lr;
	_ =	strace $0xD0000000  }
0x3: {  	_ = 	snop  }
0x4: {  	_ = 	snop  }
0x5: {  	_ = 	snop  }
0x6: {  	_ = 	snop  }
0x7: {  	_ = 	snop  }
__scs_overlays_trampoline_lowered:
0x8: {  	[smem:$0x3FAE] =	sst s0  }
0x9: {  	[smem:$0x3FAF] =	sst s1  }
0xa: {  	[smem:$0x3FB0] =	sst s2  }
0xb: {  	[smem:$0x3FB1] =	sst s3  }
0xc: {  	[smem:$0x3FB2] =	sst s4  }
0xd: {  	[smem:$0x3FB3] =	sst s5  }
0xe: {  	[smem:$0x3FB4] =	sst s6  }
0xf: {  	[smem:$0x3FB5] =	sst s7  }
0x10: {  	[smem:$0x3FB6] =	sst s8  }
0x11: {  	[smem:$0x3FB7] =	sst s9;
	s0 =	simm.s32 @!p0 $0x0  }
0x12: {  	s1 =	sld [smem:$0x3F9D];
	s0 =	simm.s32 @p0 $0x1  }
0x13: {  	[smem:$0x3FB8] =	sst s0;
	s0 =	simm.s32 @!p1 $0x0  }
0x14: {  	s2 =	sld [smem:$0x3F9C];
	s0 =	simm.s32 @p1 $0x1  }
0x15: {  	[smem:$0x3FB9] =	sst s0;
	s0 =	simm.s32 @!p2 $0x0  }
0x16: {  	s3 =	sld [smem:$0x3FDB];
	s0 =	simm.s32 @p2 $0x1  }
0x17: {  	s4 =	simm.s32 $0x1BF5;
	[smem:$0x3FBB] =	sst s0  }
0x18: {  	s0 =	sld [smem:$0x3F9E];
	_ =	swait.ge [sflag:s4], $0x0  }
0x19: {  	s7 =	sld [smem:$0x3F9F]  }
0x1a: {  	s8 =	sadd.s32 $0xFFFFE003, lr  }
0x1b: {  	s9 =	sadd.s32 $0xFFFFFEF7, lr;
	s5 =	simm.s32 $0xFFFFFFFF;
	p2 =	slt.u32 s8, $0xFFFFF086  }
0x1c: {  	p1 =	slt.u32 s9, $0xF7A;
	s5 =	simm.s32 @!p2 $0x0  }
0x1d: {  	s5 =	simm.s32 @p1 $0x1;
	p0 =	seq.s32 s7, s2  }
0x1e: {  	s7 =	smul.u32 @!p0 $0xF7A, s2;
	p2 =	seq.s32 @!p0 s5, $0x0  }
0x1f: {  	s9 =	smul.u32 $0xF7A, s1;
	s8 =	simm.s32 @!p0 $0x1BF5;
	p2 =	por !p2, p0  }
0x20: {  	[sflag:s8] =	ssyncset.s32 @!p0 $0xFFFFF086;
	s6 =	sadd.s32 @!p0 s3, s7;
	s7 =	simm.s32 @!p0 $0x108  }
0x21: {  	s3 =	sadd.s32 s3, s9;
	s6 =	sadd.s32 @!p0 $0x88, s6;
	s7 =	simm.s32 @p2 $0x1082  }
0x22: {  	[simem:s7], [sflag:s8] =	dma.local @!p0 [hbm:s6], $0xF7A  }
0x23: {  	s9 =	sor.u32 $0xD0000000, s2;
	s6 =	simm.s32 $0x108;
	_ =	swait.ge @!p0 [sflag:s8], $0x0  }
0x24: {  	s3 =	sadd.s32 $0x88, s3;
	s6 =	simm.s32 @!p1 $0x1082;
	[sflag:s4] =	ssyncset.s32 $0xFFFFF086  }
0x25: {  	[simem:s6], [sflag:s4] =	dma.local [hbm:s3], $0xF7A  }
0x26: {  	[smem:$0x3F9F] =	sst s1;
	(tag) =	ssettag s2;
	_ =	strace s9  }
0x27: {  	s1 =	sld [smem:$0x3FAF]  }
0x28: {  	s2 =	sld [smem:$0x3FB0]  }
0x29: {  	s4 =	sld [smem:$0x3FB2]  }
0x2a: {  	p0 =	seq.s32 s5, $0x0;
	s5 =	sld [smem:$0x3FB3]  }
0x2b: {  	s6 =	sld [smem:$0x3FB4]  }
0x2c: {  	s7 =	sld [smem:$0x3FB5]  }
0x2d: {  	s3 =	simm.s32 $0x108;
	s8 =	sld [smem:$0x3FB6]  }
0x2e: {  	s3 =	simm.s32 @!p0 $0x1082;
	s9 =	sld [smem:$0x3FB7]  }
0x2f: {  	lr =	sadd.s32 s0, s3;
	s0 =	sld [smem:$0x3FAE]  }
0x30: {  	s3 =	sld [smem:$0x3FB1]  }
0x31: {  	[smem:$0x3FBA] =	sst s10  }
0x32: {  	s10 =	sld [smem:$0x3FB8];
	_ =	sdelay $0x3  }
0x33: {  	p0 =	seq.s32 s10, $0x1;
	s10 =	sld [smem:$0x3FBA];
	_ =	sdelay $0x3  }
0x34: {  	[smem:$0x3FBA] =	sst s10  }
0x35: {  	s10 =	sld [smem:$0x3FB9];
	_ =	sdelay $0x3  }
0x36: {  	p1 =	seq.s32 s10, $0x1;
	s10 =	sld [smem:$0x3FBA];
	_ =	sdelay $0x3  }
0x37: {  	[smem:$0x3FBA] =	sst s10  }
0x38: {  	s10 =	sld [smem:$0x3FBB]  }
0x39: {  	_ = 	snop;
	(pc) =	sbr.ind lr, $3  }
0x3a: {  	_ = 	snop  }
0x3b: {  	_ = 	snop  }
0x3c: {  	p2 =	seq.s32 s10, $0x1;
	s10 =	sld [smem:$0x3FBA]  }
0x3d: {  	_ =	shalt  }
0x3e: {  	_ =	shalt  }
0x3f: {  	_ =	shalt  }
0x40: {  	_ =	shalt  }
0x41: {  	_ =	shalt  }
0x42: {  	_ =	shalt  }
0x43: {  	_ =	shalt  }
0x44: {  	_ =	shalt  }
0x45: {  	_ =	shalt  }
0x46: {  	_ =	shalt  }
0x47: {  	_ =	shalt  }
0x48: {  	_ =	shalt  }
0x49: {  	_ =	shalt  }
0x4a: {  	_ =	shalt  }
0x4b: {  	_ =	shalt  }
0x4c: {  	_ =	shalt  }
0x4d: {  	_ =	shalt  }
0x4e: {  	_ =	shalt  }
0x4f: {  	_ =	shalt  }
0x50: {  	_ =	shalt  }
0x51: {  	_ =	shalt  }
0x52: {  	_ =	shalt  }
0x53: {  	_ =	shalt  }
0x54: {  	_ =	shalt  }
0x55: {  	_ =	shalt  }
0x56: {  	_ =	shalt  }
0x57: {  	_ =	shalt  }
0x58: {  	_ =	shalt  }
0x59: {  	_ =	shalt  }
0x5a: {  	_ =	shalt  }
0x5b: {  	_ =	shalt  }
0x5c: {  	_ =	shalt  }
0x5d: {  	_ =	shalt  }
0x5e: {  	_ =	shalt  }
0x5f: {  	_ =	shalt  }
0x60: {  	_ =	shalt  }
0x61: {  	_ =	shalt  }
0x62: {  	_ =	shalt  }
0x63: {  	_ =	shalt  }
0x64: {  	_ =	shalt  }
0x65: {  	_ =	shalt  }
0x66: {  	_ =	shalt  }
0x67: {  	_ =	shalt  }
0x68: {  	_ =	shalt  }
0x69: {  	_ =	shalt  }
0x6a: {  	_ =	shalt  }
0x6b: {  	_ =	shalt  }
0x6c: {  	_ =	shalt  }
0x6d: {  	_ =	shalt  }
0x6e: {  	_ =	shalt  }
0x6f: {  	_ =	shalt  }
0x70: {  	_ =	shalt  }
0x71: {  	_ =	shalt  }
0x72: {  	_ =	shalt  }
0x73: {  	_ =	shalt  }
0x74: {  	_ =	shalt  }
0x75: {  	_ =	shalt  }
0x76: {  	_ =	shalt  }
0x77: {  	_ =	shalt  }
0x78: {  	_ =	shalt  }
0x79: {  	_ =	shalt  }
0x7a: {  	_ =	shalt  }
0x7b: {  	_ =	shalt  }
0x7c: {  	_ =	shalt  }
0x7d: {  	_ =	shalt  }
0x7e: {  	_ =	shalt  }
0x7f: {  	_ =	shalt  }
0x80: {  	_ =	shalt  }
0x81: {  	_ =	shalt  }
0x82: {  	_ =	shalt  }
0x83: {  	_ =	shalt  }
0x84: {  	_ =	shalt  }
0x85: {  	_ =	shalt  }
0x86: {  	_ =	shalt  }
0x87: {  	_ =	shalt  }
.Lfunc_end0:
.L_simem_size_0:
called_computation_lowered:
.L_overlay_start_0:
0x88: {  	s2 =	sld [smem:$0x3FD9]  }
0x89: {  	s3 =	sld [smem:$0x3FFE];
	_ =	sdelay $0x1  }
0x8a: {  	s1 =	srdreg.scid  }
0x8b: {  	s0 =	sand.u32 $0x1, s1  }
0x8c: {  	s18 =	sshll.u32 s0, $0xA;
	s2 =	sadd.s32 s3, s2  }
0x8d: {  	s2 =	sadd.s32 s2, s18  }
0x8e: {  	[smem:$0x3FC6] =	sst s2  }
0x8f: {  	_ = 	snop  }
0x90: {  	s2 =	sld [smem:$0x3FC9]  }
0x91: {  	s19 =	sld [smem:$0x3FC8]  }
0x92: {  	s4 =	sld [smem:$0x3FD0];
	(tm) =	ssettm $0x1  }
0x93: {  	s5 =	sld [smem:$0x3FFB];
	_ =	sdelay $0x3  }
0x94: {  	_ =	strace s5  }
0x95: {  	s5 =	sld [smem:$0x3FFC];
	_ =	sdelay $0x3  }
0x96: {  	_ =	strace s5  }
0x97: {  	s5 =	sld [smem:$0x3FFD];
	_ =	sdelay $0x3  }
0x98: {  	_ =	strace s5  }
0x99: {  	_ =	strace $0x8FFFFFFF  }
0x9a: {  	s20 =	sld [smem:$0x3FDB];
	_ =	sdelay $0x1  }
0x9b: {  	s6 =	simm.s32 $_scs_section_size  }
0x9c: {  	s7 =	simm.s32 $_size__tile_overlayer_lowered;
	s8 =	simm.s32 $_tile_overlayer_lowered  }
0x9d: {  	s23 =	simm.s32 $0x1BFF;
	s22 =	sshll.u32 s8, $0x1;
	s5 =	sadd.s32 s6, s20  }
0x9e: {  	s9 =	simm.s32 $0x0;
	s21 =	sshll.u32 s7, $0x1;
	s7 =	sadd.s32 s22, s5  }
0x9f: {  	[timem:s9], [sflag:s23] =	dma.local [hbm:s7], s21  }
0xa0: {  	_ =	swait.ge [sflag:s23], s21  }
0xa1: {  	s6 =	ssub.s32 $0x0, s21;
	[sflag:s23] =	ssyncset.done $0x0  }
0xa2: {  	[sflag:s23] =	ssyncadd.s32 s6;
	_ =	sdelay $0x1  }
0xa3: {  	s24 =	simm.s32 $0x1B8B  }
0xa4: {  	_ =	swait.ge [sflag:s24], $0x1  }
0xa5: {  	[sflag:s24] =	ssyncset.done $0x0  }
0xa6: {  	s25 =	simm.s32 $0x1B8E;
	[sflag:s24] =	ssyncadd.s32 $0xFFFFFFFF  }
0xa7: {  	s26 =	simm.s32 $execute0_lowered;
	[smem:$0x3FD2] =	sst s25  }
0xa8: {  	s6 =	sshll.u32 s26, $0x1;
	_ =	strace $0x80000046;
	[dreg:$0x1] =	wrdreg $0xFFFFFFFF  }
0xa9: {  	s28 =	simm.s32 $_size_execute0_lowered;
	s5 =	sadd.s32 s5, s6;
	[dreg:$0x0] =	wrdreg $0x0  }
0xaa: {  	s6 =	sshll.u32 s28, $0x1;
	[dreg:$0x2] =	wrdreg s5  }
0xab: {  	[dreg:$0x3] =	wrdreg s6  }
0xac: {  	[dreg:$0x4] =	wrdreg $0xC0  }
0xad: {  	_ =	task [dreg:s9], $0x5FFFF  }
0xae: {  	[dreg:$0x1] =	wrdreg $0xFFFFFFFF  }
0xaf: {  	[dreg:$0x0] =	wrdreg $0x60  }
0xb0: {  	[dreg:$0x2] =	wrdreg s2  }
0xb1: {  	[dreg:$0x3] =	wrdreg s19  }
0xb2: {  	[dreg:$0x4] =	wrdreg s4  }
0xb3: {  	[dreg:$0x5] =	wrdreg $0x9  }
0xb4: {  	_ =	task.clear_ibuf [dreg:s9], $0x6FFFF;
	_ =	strace $0x90000046  }
0xb5: {  	s29 =	simm.s32 $0x9;
	_ =	strace $0x80000048  }
0xb6: {  	_ =	swait.ge [sflag:s29], $0x1  }
0xb7: {  	[sflag:s29] =	ssyncadd.s32 $0xFFFFFFFF  }
0xb8: {  	_ =	strace $0x90000048  }
0xb9: {  	_ =	sfence  }
0xba: {  	s30 =	sld [smem:$0x0];
	_ =	sdelay $0x2  }
0xbb: {  	s31 =	sshll.u32 s1, $0xD;
	s1 =	sshrl.u32 s1, $0x2  }
0xbc: {  	s3 =	sand.u32 $0x4000, s31;
	s1 =	sadd.s32 s1, s30  }
0xbd: {  	s0 =	sor.u32 s3, s0;
	s1 =	sshll.u32 s1, $0x11  }
0xbe: {  	s0 =	sor.u32 s1, s0  }
0xbf: {  	s0 =	sadd.s32 $0x8F2B, s0  }
0xc0: {  	[sflag:s0] =	ssyncadd.remote.s32 $0x1  }
0xc1: {  	_ =	sfence.sel $0xFFFF  }
0xc2: {  	[dreg:$0x0] =	wrdreg $0xFFFFFFFF;
	(pc) =	sbr.abs _section_cstart, $3  }
0xc3: {  	[dreg:$0x1] =	wrdreg $0xFFFFFFFF  }
0xc4: {  	_ =	task.clear_ibuf [dreg:s9], $0x2FFFF;
	_ =	strace $0x9FFFFFFF  }
0xc5: {  	(tm) =	ssettm $0x7FFFFFFF  }
tec
execute0_lowered:
.L_overlay_start_1:
0x0: {  	(tag) =	ssettag $0x1  }
0x1: {  	s1 =	rddreg [dreg:$0x0]  }
0x2: {  	s0 =	srdreg.scid;
	s2 =	rddreg [dreg:$0x1]  }
0x3: {  	s11 =	stileid.u32;
	s4 =	rddreg [dreg:$0x2]  }
0x4: {  	s28 =	simm.s32 $0x1;
	s29 =	simm.s32 $0x2;
	s12 =	smul.u32 $0x64, s11  }
0x5: {  	s0 =	sand.u32 $0x1, s0;
	s3 =	sshll.u32 s11, $0x1;
	s22 =	smul.u32 $0x32000, s11  }
0x6: {  	s30 =	simm.s32 $0x3;
	s5 =	sor.u32 s0, s3;
	s10 =	smul.u32 $0x32, s0  }
0x7: {  	s3 =	simm.s32 $0x0;
	s8 =	ssub.s32 $0x2, s0;
	s0 =	smul.u32 $0x19000, s0  }
0x8: {  	s31 =	simm.s32 $0x4;
	s6 =	smul.u32 $0x1900, s5;
	[smem:$0x7FF] =	sst s3  }
0x9: {  	s5 =	sshll.u32 s5, $0x8;
	s9 =	sshrl.u32 s8, $0x1;
	s24 =	sadd.s32 s22, s4  }
0xa: {  	s22 =	simm.s32 $0x8400;
	_ =	strace $0x80000047;
	s5 =	sand.u32 $0x300, s5  }
0xb: {  	s8 =	ssub.s32 s8, s9;
	s16 =	sadd.s32 s10, s12;
	s0 =	sadd.s32 s0, s24  }
0xc: {  	s24 =	simm.s32 $0xC400;
	s9 =	simm.s32 $0x0;
	s7 =	sand.u32 $0x3FC00, s6  }
0xd: {  	s14 =	sshrl.u32 s6, $0x3;
	s19 =	sshll.u32 s16, $0x4;
	s20 =	smax.u32 s8, $0x1  }
0xe: {  	s21 =	sshll.u32 s16, $0xB;
	[dreg:$0xd] =	wrdreg s0;
	s0 =	simm.s32 $0x6  }
0xf: {  	s6 =	simm.s32 $0x8;
	s5 =	sor.u32 s5, s7;
	[dreg:$0x9] =	wrdreg s20  }
0x10: {  	s20 =	simm.s32 $0x4400;
	s7 =	simm.s32 $0xA;
	s5 =	sshrl.u32 s5, $0x3  }
0x11: {  	s13 =	sadd.s32 s2, s5;
	s5 =	sadd.s32 s2, s14;
	s2 =	sadd.s32 s19, s2  }
0x12: {  	s19 =	simm.s32 $0x400;
	[dreg:$0x4] =	wrdreg s13;
	s15 =	sadd.s32 $0x10, s13  }
0x13: {  	s17 =	sadd.s32 $0x20, s5;
	s18 =	sadd.s32 $0x30, s5;
	[dreg:$0x5] =	wrdreg s15  }
0x14: {  	s5 =	sadd.s32 $0x40, s5;
	s10 =	sadd.s32 $0x80, s2;
	[dreg:$0x6] =	wrdreg s17  }
0x15: {  	s11 =	sadd.s32 $0x60, s2;
	s12 =	sadd.s32 $0x50, s2;
	[dreg:$0x7] =	wrdreg s18  }
0x16: {  	s2 =	simm.s32 $0x5;
	[dreg:$0x8] =	wrdreg s5;
	s5 =	sadd.s32 s21, s4  }
.Ltmp0:
0x17: {  	s17 =	simm.s32 $0xB;
	s23 =	sadd.s32 $0x2000, s5;
	(pc) =	sbr.rel .LBB2_1-.Ltmp0, $4  }
0x18: {  	s18 =	simm.s32 $0x80;
	s25 =	sadd.s32 $0x1800, s5;
	[dreg:$0xa] =	wrdreg s23  }
0x19: {  	s21 =	simm.s32 $0x100;
	s26 =	sadd.s32 $0x800, s5;
	[dreg:$0xb] =	wrdreg s25  }
0x1a: {  	s4 =	simm.s32 $0x9;
	s5 =	simm.s32 $0x7;
	[dreg:$0xc] =	wrdreg s26  }
0x1b: {  	s23 =	simm.s32 $0x180;
	s25 =	simm.s32 $0x200;
	s26 =	simm.s32 $0x10400  }
.LBB2_4:
0x1c: {  	_ =	swait.ge [sflag:s5], $0x4000  }
0x1d: {  	[sflag:s5] =	ssyncset.done $0x0  }
0x1e: {  	[sflag:s5] =	ssyncadd.s32 $0xFFFFC000  }
0x1f: {  	_ =	swait.ge [sflag:s6], $0x4000  }
0x20: {  	[sflag:s6] =	ssyncset.done $0x0  }
0x21: {  	[sflag:s6] =	ssyncadd.s32 $0xFFFFC000  }
0x22: {  	_ =	swait.ge [sflag:s4], $0x4000  }
0x23: {  	[sflag:s4] =	ssyncset.done $0x0  }
0x24: {  	[sflag:s4] =	ssyncadd.s32 $0xFFFFC000  }
0x25: {  	_ =	swait.ge [sflag:s7], $0x4000  }
0x26: {  	s9 =	rddreg [dreg:$0xe]  }
0x27: {  	s8 =	rddreg [dreg:$0x9];
	s9 =	sadd.s32 $0x1, s9  }
0x28: {  	p0 =	sne.s32 s9, s8  }
.Ltmp1:
0x29: {  	_ = 	snop;
	(pc) =	sbr.rel @!p0 .LBB2_5-.Ltmp1, $3  }
0x2a: {  	_ =	sdelay $0x1  }
0x2b: {  	[sflag:s7] =	ssyncset.done $0x0  }
0x2c: {  	[sflag:s7] =	ssyncadd.s32 $0xFFFFC000  }
.LBB2_1:
0x2d: {  	[dreg:$0xe] =	wrdreg s9  }
0x2e: {  	s8 =	rddreg [dreg:$0x4]  }
0x2f: {  	[tilespmem:s3], [sflag:$0xB] =	stream.linear.gather [hbm4b:s8+s3], $0x80, $0x38;
	[tilespmem:$0x14400] =	vst v63  }
0x30: {  	_ =	swait.ge [sflag:s17], $0x80  }
0x31: {  	[sflag:s17] =	ssyncset.done $0x0  }
0x32: {  	[sflag:s17] =	ssyncadd.s32 $0xFFFFFF80  }
0x33: {  	[tilespmem:s19], [sflag:$0x1] =	stream.indirect.gather [hbm4b:s1+s18], $0x80, s3, s18, $0xb8;
	[tilespmem:$0x14400] =	vst v63  }
0x34: {  	s13 =	rddreg [dreg:$0x5]  }
0x35: {  	[tilespmem:s18], [sflag:$0xB] =	stream.linear.gather [hbm4b:s13+s3], $0x80, $0x38;
	[tilespmem:$0x14400] =	vst v63  }
0x36: {  	_ =	swait.ge [sflag:s17], $0x80  }
0x37: {  	[sflag:s17] =	ssyncset.done $0x0  }
0x38: {  	[sflag:s17] =	ssyncadd.s32 $0xFFFFFF80  }
0x39: {  	[tilespmem:s20], [sflag:$0x2] =	stream.indirect.gather [hbm4b:s1+s18], $0x80, s18, s18, $0xb8;
	[tilespmem:$0x14400] =	vst v63  }
0x3a: {  	s14 =	rddreg [dreg:$0x6]  }
0x3b: {  	[tilespmem:s21], [sflag:$0xB] =	stream.linear.gather [hbm4b:s14+s3], $0x80, $0x38;
	[tilespmem:$0x14400] =	vst v63  }
0x3c: {  	_ =	swait.ge [sflag:s17], $0x80  }
0x3d: {  	[sflag:s17] =	ssyncset.done $0x0  }
0x3e: {  	[sflag:s17] =	ssyncadd.s32 $0xFFFFFF80  }
0x3f: {  	[tilespmem:s22], [sflag:$0x3] =	stream.indirect.gather [hbm4b:s1+s18], $0x80, s21, s18, $0xb8;
	[tilespmem:$0x14400] =	vst v63  }
0x40: {  	s15 =	rddreg [dreg:$0x7]  }
0x41: {  	[tilespmem:s23], [sflag:$0xB] =	stream.linear.gather [hbm4b:s15+s3], $0x80, $0x38;
	[tilespmem:$0x14400] =	vst v63  }
0x42: {  	_ =	swait.ge [sflag:s17], $0x80  }
0x43: {  	[sflag:s17] =	ssyncset.done $0x0  }
0x44: {  	[sflag:s17] =	ssyncadd.s32 $0xFFFFFF80  }
0x45: {  	[tilespmem:s24], [sflag:$0x4] =	stream.indirect.gather [hbm4b:s1+s18], $0x80, s23, s18, $0xb8;
	[tilespmem:$0x14400] =	vst v63  }
0x46: {  	s16 =	rddreg [dreg:$0x8]  }
0x47: {  	[tilespmem:s25], [sflag:$0xB] =	stream.linear.gather [hbm4b:s16+s3], $0x80, $0x38;
	[tilespmem:$0x14400] =	vst v63  }
0x48: {  	_ =	swait.ge [sflag:s17], $0x80  }
0x49: {  	s16 =	rddreg [dreg:$0xd]  }
0x4a: {  	s15 =	rddreg [dreg:$0xc]  }
0x4b: {  	[sflag:s17] =	ssyncset.done $0x0;
	s14 =	rddreg [dreg:$0xb]  }
0x4c: {  	s9 =	simm.s32 $0x0;
	s13 =	rddreg [dreg:$0xa];
	[sflag:s17] =	ssyncadd.s32 $0xFFFFFF80  }
0x4d: {  	[tilespmem:s26], [sflag:$0x5] =	stream.indirect.gather [hbm4b:s1+s18], $0x80, s25, s18, $0xb8;
	[tilespmem:$0x14400] =	vst v63  }
.LBB2_2:
0x4e: {  	_ =	swait.ge [sflag:s28], $0x4000  }
0x4f: {  	[sflag:s28] =	ssyncset.done $0x0  }
0x50: {  	[sflag:s28] =	ssyncadd.s32 $0xFFFFC000  }
0x51: {  	[hbm4b:s16+s3] =	stream.linear.scatter [tilespmem:s19], [sflag:$0x6], $0x4000, $0x38;
	[tilespmem:$0x14400] =	vst v63  }
0x52: {  	_ =	swait.ge [sflag:s29], $0x4000  }
0x53: {  	[sflag:s29] =	ssyncset.done $0x0  }
0x54: {  	[sflag:s29] =	ssyncadd.s32 $0xFFFFC000  }
0x55: {  	[hbm4b:s15+s3] =	stream.linear.scatter [tilespmem:s20], [sflag:$0x7], $0x4000, $0x38;
	[tilespmem:$0x14400] =	vst v63  }
0x56: {  	_ =	swait.ge [sflag:s30], $0x4000  }
0x57: {  	[sflag:s30] =	ssyncset.done $0x0  }
0x58: {  	s8 =	sadd.s32 $0xFFFFF800, s14;
	[sflag:s30] =	ssyncadd.s32 $0xFFFFC000  }
0x59: {  	[hbm4b:s8+s3] =	stream.linear.scatter [tilespmem:s22], [sflag:$0x8], $0x4000, $0x38;
	[tilespmem:$0x14400] =	vst v63  }
0x5a: {  	_ =	swait.ge [sflag:s31], $0x4000  }
0x5b: {  	[sflag:s31] =	ssyncset.done $0x0  }
0x5c: {  	[sflag:s31] =	ssyncadd.s32 $0xFFFFC000  }
0x5d: {  	[hbm4b:s14+s3] =	stream.linear.scatter [tilespmem:s24], [sflag:$0x9], $0x4000, $0x38;
	[tilespmem:$0x14400] =	vst v63  }
0x5e: {  	_ =	swait.ge [sflag:s2], $0x4000  }
0x5f: {  	p0 =	seq.s32 s9, $0x2D0;
	[sflag:s2] =	ssyncset.done $0x0  }
.Ltmp2:
0x60: {  	[sflag:s2] =	ssyncadd.s32 $0xFFFFC000;
	(pc) =	sbr.rel @p0 .LBB2_4-.Ltmp2, $4  }
0x61: {  	[hbm4b:s13+s3] =	stream.linear.scatter [tilespmem:s26], [sflag:$0xA], $0x4000, $0x38;
	[tilespmem:$0x14400] =	vst v63  }
0x62: {  	_ =	swait.ge [sflag:s0], $0x4000  }
0x63: {  	[sflag:s0] =	ssyncset.done $0x0  }
0x64: {  	[sflag:s0] =	ssyncadd.s32 $0xFFFFC000  }
0x65: {  	s8 =	sadd.s32 s9, s12  }
0x66: {  	[tilespmem:s3], [sflag:$0xB] =	stream.linear.gather [hbm4b:s8+s3], $0x80, $0x38;
	[tilespmem:$0x14400] =	vst v63  }
0x67: {  	_ =	swait.ge [sflag:s17], $0x80  }
0x68: {  	[sflag:s17] =	ssyncset.done $0x0  }
0x69: {  	[sflag:s17] =	ssyncadd.s32 $0xFFFFFF80  }
0x6a: {  	[tilespmem:s19], [sflag:$0x1] =	stream.indirect.gather [hbm4b:s1+s18], $0x80, s3, s18, $0xb8;
	[tilespmem:$0x14400] =	vst v63  }
0x6b: {  	_ =	swait.ge [sflag:s5], $0x4000  }
0x6c: {  	[sflag:s5] =	ssyncset.done $0x0  }
0x6d: {  	s8 =	sadd.s32 s9, s11;
	[sflag:s5] =	ssyncadd.s32 $0xFFFFC000  }
0x6e: {  	[tilespmem:s18], [sflag:$0xB] =	stream.linear.gather [hbm4b:s8+s3], $0x80, $0x38;
	[tilespmem:$0x14400] =	vst v63  }
0x6f: {  	_ =	swait.ge [sflag:s17], $0x80  }
0x70: {  	[sflag:s17] =	ssyncset.done $0x0  }
0x71: {  	[sflag:s17] =	ssyncadd.s32 $0xFFFFFF80  }
0x72: {  	[tilespmem:s20], [sflag:$0x2] =	stream.indirect.gather [hbm4b:s1+s18], $0x80, s18, s18, $0xb8;
	[tilespmem:$0x14400] =	vst v63  }
0x73: {  	_ =	swait.ge [sflag:s6], $0x4000  }
0x74: {  	[sflag:s6] =	ssyncset.done $0x0  }
0x75: {  	s8 =	sadd.s32 $0x10, s8;
	[sflag:s6] =	ssyncadd.s32 $0xFFFFC000  }
0x76: {  	[tilespmem:s21], [sflag:$0xB] =	stream.linear.gather [hbm4b:s8+s3], $0x80, $0x38;
	[tilespmem:$0x14400] =	vst v63  }
0x77: {  	_ =	swait.ge [sflag:s17], $0x80  }
0x78: {  	[sflag:s17] =	ssyncset.done $0x0  }
0x79: {  	[sflag:s17] =	ssyncadd.s32 $0xFFFFFF80  }
0x7a: {  	[tilespmem:s22], [sflag:$0x3] =	stream.indirect.gather [hbm4b:s1+s18], $0x80, s21, s18, $0xb8;
	[tilespmem:$0x14400] =	vst v63  }
0x7b: {  	_ =	swait.ge [sflag:s4], $0x4000  }
0x7c: {  	[sflag:s4] =	ssyncset.done $0x0  }
0x7d: {  	s8 =	sadd.s32 s9, s10;
	[sflag:s4] =	ssyncadd.s32 $0xFFFFC000  }
0x7e: {  	[tilespmem:s23], [sflag:$0xB] =	stream.linear.gather [hbm4b:s8+s3], $0x80, $0x38;
	[tilespmem:$0x14400] =	vst v63  }
0x7f: {  	_ =	swait.ge [sflag:s17], $0x80  }
0x80: {  	[sflag:s17] =	ssyncset.done $0x0  }
0x81: {  	[sflag:s17] =	ssyncadd.s32 $0xFFFFFF80  }
0x82: {  	[tilespmem:s24], [sflag:$0x4] =	stream.indirect.gather [hbm4b:s1+s18], $0x80, s23, s18, $0xb8;
	[tilespmem:$0x14400] =	vst v63  }
0x83: {  	_ =	swait.ge [sflag:s7], $0x4000  }
0x84: {  	[sflag:s7] =	ssyncset.done $0x0  }
0x85: {  	s8 =	sadd.s32 $0x10, s8;
	[sflag:s7] =	ssyncadd.s32 $0xFFFFC000  }
0x86: {  	[tilespmem:s25], [sflag:$0xB] =	stream.linear.gather [hbm4b:s8+s3], $0x80, $0x38;
	[tilespmem:$0x14400] =	vst v63  }
.Ltmp3:
0x87: {  	_ = 	snop;
	(pc) =	sbr.rel .LBB2_2-.Ltmp3, $4  }
0x88: {  	s13 =	sadd.s32 $0x2800, s13;
	_ =	swait.ge [sflag:s17], $0x80  }
0x89: {  	s14 =	sadd.s32 $0x2800, s14;
	s15 =	sadd.s32 $0x2800, s15;
	[sflag:s17] =	ssyncset.done $0x0  }
0x8a: {  	s16 =	sadd.s32 $0x2800, s16;
	s9 =	sadd.s32 $0x50, s9;
	[sflag:s17] =	ssyncadd.s32 $0xFFFFFF80  }
0x8b: {  	[tilespmem:s26], [sflag:$0x5] =	stream.indirect.gather [hbm4b:s1+s18], $0x80, s25, s18, $0xb8;
	[tilespmem:$0x14400] =	vst v63  }
.LBB2_5:
0x8c: {  	_ =	sfence.sel $0x180000  }
0x8d: {  	[bflag:$0x0] =	sbarrier.arrive $0xFFFF  }
0x8e: {  	_ =	strace $0x90000047  }
0x8f: {  	s0 =	stileid.u32;
	[bflag:$0x2] =	sbarrier.arrive $0xFFFF  }
0x90: {  	p0 =	sne.s32 s0, $0x0;
	s0 =	rddreg [dreg:$0x3]  }
0x91: {  	s0 =	sadd.s32 @!p0 $0x100000, s0  }
0x92: {  	[sflag:s0] =	ssyncadd.tile.s32 @!p0 $0x1;
	_ =	shalt  }
.Lfunc_end2:
_tile_overlayer_lowered:
.L_overlay_start_2:
0x93: {  	(tag) =	ssettag $0x2  }
0x94: {  	s0 =	rddreg [dreg:$0x0];
	s2 =	stileid.u32  }
0x95: {  	s1 =	rddreg [dreg:$0x1];
	p0 =	sne.s32 s2, $0x0  }
0x96: {  	s3 =	rddreg [dreg:$0x2];
	[bflag:$0x3] =	sbarrier.arrive $0xFFFF;
	s2 =	simm.s32 @!p0 $0x1C0B  }
0x97: {  	[timem:s3], [sflag:s2] =	dma.local @!p0 [hbm:s0], s1  }
0x98: {  	s0 =	simm.s32 @!p0 $0xB  }
0x99: {  	_ =	swait.ge @!p0 [sflag:s0], s1  }
0x9a: {  	s1 =	ssub.s32 @!p0 $0x0, s1;
	[sflag:s0] =	ssyncset.done @!p0 $0x0  }
0x9b: {  	[sflag:s0] =	ssyncadd.s32 @!p0 s1  }
0x9c: {  	[bflag:$0x3] =	sbarrier.arrive $0xFFFF  }
0x9d: {  	_ =	shalt  }

</sc_bundles>
